<compile_context>
chip_gen: v7x
topology: tpu7x:2x2x1
jax: 0.10.2.dev20260603
libtpu: 0.0.44.dev20260713+nightly
codegen_flags: <defaults>
</compile_context>

<pallas_src>
import jax
import jax.numpy as jnp
from jax.experimental import pallas as pl

EPS = 1e-5


def _bn(x, gamma, beta, axes):
    m = jnp.mean(x, axis=axes, keepdims=True)
    v = jnp.var(x, axis=axes, keepdims=True)
    return (x - m) / jnp.sqrt(v + EPS) * gamma + beta


def _mlp(x, layers, axes):
    for (W, g, b) in layers:
        x = jnp.einsum('...c,cd->...d', x, W)
        x = _bn(x, g, b, axes)
        x = jax.nn.relu(x)
    return x


def _knn(query, ref, k):
    d = (jnp.sum(query * query, -1)[:, :, None]
         + jnp.sum(ref * ref, -1)[:, None, :]
         - 2.0 * jnp.einsum('bmc,bnc->bmn', query, ref))
    _, idx = jax.lax.top_k(-d, k)
    return idx


def _point_conv(pos, features, idx, layers, k):
    B = pos.shape[0]
    b2 = jnp.arange(B)[:, None]
    b3 = jnp.arange(B)[:, None, None]
    new_pos = pos[b2, idx]
    nbr = _knn(new_pos, pos, k)
    g_pos = pos[b3, nbr]
    g_feat = features[b3, nbr]
    rec = g_pos - new_pos[:, :, None, :]
    g = jnp.concatenate([rec, g_feat], axis=-1)
    g = _mlp(g, layers, (0, 1, 2))
    return new_pos, jnp.max(g, axis=2)


def _head_kernel(x_ref, *rest):
    out_ref = rest[-1]
    p = rest[:-1]
    (gW1, gg1, gb1, gW2, gg2, gb2, gW3, gg3, gb3,
     W1, g1, be1, W2, g2, be2, W3, b3) = p

    B, M, C = x_ref.shape
    x = x_ref[...].reshape(B * M, C)

    def bn_relu(y, g, b):
        m = jnp.mean(y, axis=0, keepdims=True)
        v = jnp.mean((y - m) ** 2, axis=0, keepdims=True)
        return jax.nn.relu((y - m) / jnp.sqrt(v + EPS) * g[...] + b[...])

    x = bn_relu(jnp.dot(x, gW1[...], preferred_element_type=jnp.float32), gg1, gb1)
    x = bn_relu(jnp.dot(x, gW2[...], preferred_element_type=jnp.float32), gg2, gb2)
    x = bn_relu(jnp.dot(x, gW3[...], preferred_element_type=jnp.float32), gg3, gb3)
    x = jnp.max(x.reshape(B, M, x.shape[-1]), axis=1)
    x = bn_relu(jnp.dot(x, W1[...], preferred_element_type=jnp.float32), g1, be1)
    x = bn_relu(jnp.dot(x, W2[...], preferred_element_type=jnp.float32), g2, be2)
    out_ref[...] = jnp.dot(x, W3[...], preferred_element_type=jnp.float32) + b3[...]


def _head(x, params):
    gl = params['glob']
    W1, g1, be1 = params['fc1']
    W2, g2, be2 = params['fc2']
    W3, b3 = params['fc3']
    args = [x]
    for (W, g, b) in gl:
        args += [W, g, b]
    args += [W1, g1, be1, W2, g2, be2, W3, b3]
    B = x.shape[0]
    return pl.pallas_call(
        _head_kernel,
        out_shape=jax.ShapeDtypeStruct((B, 40), jnp.float32),
    )(*args)


def kernel(all_points, idx_0, idx_1, idx_2, params):
    B = all_points.shape[0]
    b2 = jnp.arange(B)[:, None]
    pos = all_points[b2, idx_0]
    features = pos
    pos, features = _point_conv(pos, features, idx_1, params['conv1'], 64)
    pos, features = _point_conv(pos, features, idx_2, params['conv2'], 64)
    x = jnp.concatenate([features, pos], axis=-1)
    return _head(x, params)

# --- scband reference (transcript-rebuilt; emitter-appended) ---
"""Pipeline reference for scband-point-net-ppclassification-36945308680404 (READ-ONLY COPY).

The authoritative reference and input builder live on the scoring server;
editing this copy changes nothing except your own understanding.
"""

import jax, jax.numpy as jnp
import numpy as np

EPS = 1e-5

def _bn(x, gamma, beta, axes):
    m = jnp.mean(x, axis=axes, keepdims=True)
    v = jnp.var(x, axis=axes, keepdims=True)
    return (x - m) / jnp.sqrt(v + EPS) * gamma + beta

def _mlp(x, layers, axes):
    # pointwise (1x1 conv) + BatchNorm (training-mode batch stats) + ReLU stack
    for (W, g, b) in layers:
        x = jnp.einsum('...c,cd->...d', x, W)
        x = _bn(x, g, b, axes)
        x = jax.nn.relu(x)
    return x

def _knn(query, ref, k):
    # query [B,M,3], ref [B,N,3] -> neighbor indices [B,M,k]
    d = (jnp.sum(query * query, -1)[:, :, None]
         + jnp.sum(ref * ref, -1)[:, None, :]
         - 2.0 * jnp.einsum('bmc,bnc->bmn', query, ref))
    _, idx = jax.lax.top_k(-d, k)
    return idx

def _point_conv(pos, features, idx, layers, k):
    B = pos.shape[0]
    b2 = jnp.arange(B)[:, None]
    b3 = jnp.arange(B)[:, None, None]
    new_pos = pos[b2, idx]                      # subsample centroids [B,M,3]
    nbr = _knn(new_pos, pos, k)                 # [B,M,k]
    g_pos = pos[b3, nbr]                        # [B,M,k,3]
    g_feat = features[b3, nbr]                  # [B,M,k,C]
    rec = g_pos - new_pos[:, :, None, :]        # recenter groups
    g = jnp.concatenate([rec, g_feat], axis=-1) # use_xyz: [B,M,k,3+C]
    g = _mlp(g, layers, (0, 1, 2))              # conv2d_mlp, BN over (B,K,M)
    return new_pos, jnp.max(g, axis=2)          # max-aggregate over k

def _init_layers(key, spec):
    layers = []
    for i in range(len(spec) - 1):
        key, sk = jax.random.split(key)
        W = jax.random.normal(sk, (spec[i], spec[i + 1]), jnp.float32) / np.sqrt(spec[i])
        layers.append((W,
                       jnp.ones((spec[i + 1],), jnp.float32),
                       jnp.zeros((spec[i + 1],), jnp.float32)))
    return key, layers

def setup_inputs(seed: int = 0):
    key = jax.random.key(seed)
    k1, k2, k3, k4, pk = jax.random.split(key, 5)
    B, N = 4, 8192
    all_points = jax.random.normal(k1, (B, N, 3), jnp.float32)
    idx_0 = jax.random.randint(k2, (B, 4096), 0, N)
    idx_1 = jax.random.randint(k3, (B, 1024), 0, 4096)
    idx_2 = jax.random.randint(k4, (B, 256), 0, 1024)
    pk, conv1 = _init_layers(pk, [6, 64, 64, 128])
    pk, conv2 = _init_layers(pk, [131, 128, 128, 256])
    pk, glob = _init_layers(pk, [259, 256, 512, 1024])
    pk, ka, kb, kc = jax.random.split(pk, 4)
    W1 = jax.random.normal(ka, (1024, 512), jnp.float32) / np.sqrt(1024.0)
    W2 = jax.random.normal(kb, (512, 256), jnp.float32) / np.sqrt(512.0)
    W3 = jax.random.normal(kc, (256, 40), jnp.float32) / np.sqrt(256.0)
    params = {
        'conv1': conv1,
        'conv2': conv2,
        'glob': glob,
        'fc1': (W1, jnp.ones((512,), jnp.float32), jnp.zeros((512,), jnp.float32)),
        'fc2': (W2, jnp.ones((256,), jnp.float32), jnp.zeros((256,), jnp.float32)),
        'fc3': (W3, jnp.zeros((40,), jnp.float32)),
    }
    return {'all_points': all_points, 'idx_0': idx_0, 'idx_1': idx_1,
            'idx_2': idx_2, 'params': params}

def reference(all_points, idx_0, idx_1, idx_2, params):
    B = all_points.shape[0]
    b2 = jnp.arange(B)[:, None]
    pos = all_points[b2, idx_0]                 # pctools.index(all_points, idx[0])
    features = pos
    pos, features = _point_conv(pos, features, idx_1, params['conv1'], 64)
    pos, features = _point_conv(pos, features, idx_2, params['conv2'], 64)
    x = jnp.concatenate([features, pos], axis=-1)   # [B, 256, 259]
    x = _mlp(x, params['glob'], (0, 1))             # conv1d_mlp, BN over (B,M)
    x = jnp.max(x, axis=1)                          # global max-pool -> [B,1024]
    W1, g1, be1 = params['fc1']
    x = jax.nn.relu(_bn(x @ W1, g1, be1, (0,)))
    W2, g2, be2 = params['fc2']
    x = jax.nn.relu(_bn(x @ W2, g2, be2, (0,)))
    # Dropout(0.5) treated as identity (eval mode)
    W3, b3 = params['fc3']
    return x @ W3 + b3

if __name__ == "__main__":
    import jax
    _d = setup_inputs()
    print(jax.jit(kernel)(*tuple(_d.values())))

</pallas_src>

<mosaic_0001>
module attributes {stable_mosaic.version = 14 : i64} {
  func.func @_head_kernel(%arg0: memref<4x256x259xf32, #tpu.memory_space<vmem>>, %arg1: memref<259x256xf32, #tpu.memory_space<vmem>>, %arg2: memref<256xf32, #tpu.memory_space<vmem>>, %arg3: memref<256xf32, #tpu.memory_space<vmem>>, %arg4: memref<256x512xf32, #tpu.memory_space<vmem>>, %arg5: memref<512xf32, #tpu.memory_space<vmem>>, %arg6: memref<512xf32, #tpu.memory_space<vmem>>, %arg7: memref<512x1024xf32, #tpu.memory_space<vmem>>, %arg8: memref<1024xf32, #tpu.memory_space<vmem>>, %arg9: memref<1024xf32, #tpu.memory_space<vmem>>, %arg10: memref<1024x512xf32, #tpu.memory_space<vmem>>, %arg11: memref<512xf32, #tpu.memory_space<vmem>>, %arg12: memref<512xf32, #tpu.memory_space<vmem>>, %arg13: memref<512x256xf32, #tpu.memory_space<vmem>>, %arg14: memref<256xf32, #tpu.memory_space<vmem>>, %arg15: memref<256xf32, #tpu.memory_space<vmem>>, %arg16: memref<256x40xf32, #tpu.memory_space<vmem>>, %arg17: memref<40xf32, #tpu.memory_space<vmem>>, %arg18: memref<4x40xf32, #tpu.memory_space<vmem>>) attributes {dimension_semantics = [], scalar_prefetch = 0 : i64, scratch_operands = 0 : i64, tpu.core_type = #tpu.core_type<tc>} {
    %get3A = arith.constant 0 : index
    %get3A_0 = arith.constant 0 : index
    %get3A_1 = arith.constant 0 : index
    %get3A_2 = vector.load %arg0[%get3A, %get3A_0, %get3A_1] : memref<4x256x259xf32, #tpu.memory_space<vmem>>, vector<4x256x259xf32>
    %reshape3A = vector.shape_cast %get3A_2 : vector<4x256x259xf32> to vector<1024x259xf32>
    %get3A_3 = arith.constant 0 : index
    %get3A_4 = arith.constant 0 : index
    %get3A_5 = vector.load %arg1[%get3A_3, %get3A_4] : memref<259x256xf32, #tpu.memory_space<vmem>>, vector<259x256xf32>
    %dot_general3A = arith.constant dense<0.000000e+00> : vector<1024x256xf32>
    %dot_general3A_6 = tpu.matmul %reshape3A, %get3A_5, %dot_general3A {dimension_numbers = #tpu.dot_dimension_numbers<[1], [0], [0], [1], [0, 0, 1, 1], [], []>, transpose_lhs_hint = false} : vector<1024x259xf32>, vector<259x256xf32>, vector<1024x256xf32> -> vector<1024x256xf32>
    %reduce_sum3A = arith.constant dense<0.000000e+00> : vector<256xf32>
    %reduce_sum3A_7 = vector.multi_reduction <add>, %dot_general3A_6, %reduce_sum3A [0] : vector<1024x256xf32> to vector<256xf32>
    %broadcast_in_dim3A = vector.shape_cast %reduce_sum3A_7 : vector<256xf32> to vector<1x256xf32>
    %div3A = arith.constant 1.024000e+03 : f32
    %div3A_8 = vector.broadcast %div3A : f32 to vector<1x256xf32>
    %div3A_9 = arith.divf %broadcast_in_dim3A, %div3A_8 : vector<1x256xf32>
    %sub3A = vector.broadcast %div3A_9 : vector<1x256xf32> to vector<1024x256xf32>
    %sub3A_10 = arith.subf %dot_general3A_6, %sub3A : vector<1024x256xf32>
    %integer_pow3A = arith.mulf %sub3A_10, %sub3A_10 : vector<1024x256xf32>
    %reduce_sum3A_11 = arith.constant dense<0.000000e+00> : vector<256xf32>
    %reduce_sum3A_12 = vector.multi_reduction <add>, %integer_pow3A, %reduce_sum3A_11 [0] : vector<1024x256xf32> to vector<256xf32>
    %broadcast_in_dim3A_13 = vector.shape_cast %reduce_sum3A_12 : vector<256xf32> to vector<1x256xf32>
    %div3A_14 = arith.constant 1.024000e+03 : f32
    %div3A_15 = vector.broadcast %div3A_14 : f32 to vector<1x256xf32>
    %div3A_16 = arith.divf %broadcast_in_dim3A_13, %div3A_15 : vector<1x256xf32>
    %sub3A_17 = vector.broadcast %div3A_9 : vector<1x256xf32> to vector<1024x256xf32>
    %sub3A_18 = arith.subf %dot_general3A_6, %sub3A_17 : vector<1024x256xf32>
    %add3A = arith.constant 9.99999974E-6 : f32
    %add3A_19 = vector.broadcast %add3A : f32 to vector<1x256xf32>
    %add3A_20 = arith.addf %div3A_16, %add3A_19 : vector<1x256xf32>
    %sqrt3A = math.sqrt %add3A_20 : vector<1x256xf32>
    %div3A_21 = vector.broadcast %sqrt3A : vector<1x256xf32> to vector<1024x256xf32>
    %div3A_22 = arith.divf %sub3A_18, %div3A_21 : vector<1024x256xf32>
    %get3A_23 = arith.constant 0 : index
    %get3A_24 = vector.load %arg2[%get3A_23] : memref<256xf32, #tpu.memory_space<vmem>>, vector<256xf32>
    %broadcast_in_dim3A_25 = vector.shape_cast %get3A_24 : vector<256xf32> to vector<1x256xf32>
    %mul3A = vector.broadcast %broadcast_in_dim3A_25 : vector<1x256xf32> to vector<1024x256xf32>
    %mul3A_26 = arith.mulf %div3A_22, %mul3A : vector<1024x256xf32>
    %get3A_27 = arith.constant 0 : index
    %get3A_28 = vector.load %arg3[%get3A_27] : memref<256xf32, #tpu.memory_space<vmem>>, vector<256xf32>
    %broadcast_in_dim3A_29 = vector.shape_cast %get3A_28 : vector<256xf32> to vector<1x256xf32>
    %add3A_30 = vector.broadcast %broadcast_in_dim3A_29 : vector<1x256xf32> to vector<1024x256xf32>
    %add3A_31 = arith.addf %mul3A_26, %add3A_30 : vector<1024x256xf32>
    %max3A = arith.constant 0.000000e+00 : f32
    %max3A_32 = vector.broadcast %max3A : f32 to vector<1024x256xf32>
    %max3A_33 = arith.maximumf %add3A_31, %max3A_32 : vector<1024x256xf32>
    %get3A_34 = arith.constant 0 : index
    %get3A_35 = arith.constant 0 : index
    %get3A_36 = vector.load %arg4[%get3A_34, %get3A_35] : memref<256x512xf32, #tpu.memory_space<vmem>>, vector<256x512xf32>
    %dot_general3A_37 = arith.constant dense<0.000000e+00> : vector<1024x512xf32>
    %dot_general3A_38 = tpu.matmul %max3A_33, %get3A_36, %dot_general3A_37 {dimension_numbers = #tpu.dot_dimension_numbers<[1], [0], [0], [1], [0, 0, 1, 1], [], []>, transpose_lhs_hint = false} : vector<1024x256xf32>, vector<256x512xf32>, vector<1024x512xf32> -> vector<1024x512xf32>
    %reduce_sum3A_39 = arith.constant dense<0.000000e+00> : vector<512xf32>
    %reduce_sum3A_40 = vector.multi_reduction <add>, %dot_general3A_38, %reduce_sum3A_39 [0] : vector<1024x512xf32> to vector<512xf32>
    %broadcast_in_dim3A_41 = vector.shape_cast %reduce_sum3A_40 : vector<512xf32> to vector<1x512xf32>
    %div3A_42 = arith.constant 1.024000e+03 : f32
    %div3A_43 = vector.broadcast %div3A_42 : f32 to vector<1x512xf32>
    %div3A_44 = arith.divf %broadcast_in_dim3A_41, %div3A_43 : vector<1x512xf32>
    %sub3A_45 = vector.broadcast %div3A_44 : vector<1x512xf32> to vector<1024x512xf32>
    %sub3A_46 = arith.subf %dot_general3A_38, %sub3A_45 : vector<1024x512xf32>
    %integer_pow3A_47 = arith.mulf %sub3A_46, %sub3A_46 : vector<1024x512xf32>
    %reduce_sum3A_48 = arith.constant dense<0.000000e+00> : vector<512xf32>
    %reduce_sum3A_49 = vector.multi_reduction <add>, %integer_pow3A_47, %reduce_sum3A_48 [0] : vector<1024x512xf32> to vector<512xf32>
    %broadcast_in_dim3A_50 = vector.shape_cast %reduce_sum3A_49 : vector<512xf32> to vector<1x512xf32>
    %div3A_51 = arith.constant 1.024000e+03 : f32
    %div3A_52 = vector.broadcast %div3A_51 : f32 to vector<1x512xf32>
    %div3A_53 = arith.divf %broadcast_in_dim3A_50, %div3A_52 : vector<1x512xf32>
    %sub3A_54 = vector.broadcast %div3A_44 : vector<1x512xf32> to vector<1024x512xf32>
    %sub3A_55 = arith.subf %dot_general3A_38, %sub3A_54 : vector<1024x512xf32>
    %add3A_56 = arith.constant 9.99999974E-6 : f32
    %add3A_57 = vector.broadcast %add3A_56 : f32 to vector<1x512xf32>
    %add3A_58 = arith.addf %div3A_53, %add3A_57 : vector<1x512xf32>
    %sqrt3A_59 = math.sqrt %add3A_58 : vector<1x512xf32>
    %div3A_60 = vector.broadcast %sqrt3A_59 : vector<1x512xf32> to vector<1024x512xf32>
    %div3A_61 = arith.divf %sub3A_55, %div3A_60 : vector<1024x512xf32>
    %get3A_62 = arith.constant 0 : index
    %get3A_63 = vector.load %arg5[%get3A_62] : memref<512xf32, #tpu.memory_space<vmem>>, vector<512xf32>
    %broadcast_in_dim3A_64 = vector.shape_cast %get3A_63 : vector<512xf32> to vector<1x512xf32>
    %mul3A_65 = vector.broadcast %broadcast_in_dim3A_64 : vector<1x512xf32> to vector<1024x512xf32>
    %mul3A_66 = arith.mulf %div3A_61, %mul3A_65 : vector<1024x512xf32>
    %get3A_67 = arith.constant 0 : index
    %get3A_68 = vector.load %arg6[%get3A_67] : memref<512xf32, #tpu.memory_space<vmem>>, vector<512xf32>
    %broadcast_in_dim3A_69 = vector.shape_cast %get3A_68 : vector<512xf32> to vector<1x512xf32>
    %add3A_70 = vector.broadcast %broadcast_in_dim3A_69 : vector<1x512xf32> to vector<1024x512xf32>
    %add3A_71 = arith.addf %mul3A_66, %add3A_70 : vector<1024x512xf32>
    %max3A_72 = arith.constant 0.000000e+00 : f32
    %max3A_73 = vector.broadcast %max3A_72 : f32 to vector<1024x512xf32>
    %max3A_74 = arith.maximumf %add3A_71, %max3A_73 : vector<1024x512xf32>
    %get3A_75 = arith.constant 0 : index
    %get3A_76 = arith.constant 0 : index
    %get3A_77 = vector.load %arg7[%get3A_75, %get3A_76] : memref<512x1024xf32, #tpu.memory_space<vmem>>, vector<512x1024xf32>
    %dot_general3A_78 = arith.constant dense<0.000000e+00> : vector<1024x1024xf32>
    %dot_general3A_79 = tpu.matmul %max3A_74, %get3A_77, %dot_general3A_78 {dimension_numbers = #tpu.dot_dimension_numbers<[1], [0], [0], [1], [0, 0, 1, 1], [], []>, transpose_lhs_hint = false} : vector<1024x512xf32>, vector<512x1024xf32>, vector<1024x1024xf32> -> vector<1024x1024xf32>
    %reduce_sum3A_80 = arith.constant dense<0.000000e+00> : vector<1024xf32>
    %reduce_sum3A_81 = vector.multi_reduction <add>, %dot_general3A_79, %reduce_sum3A_80 [0] : vector<1024x1024xf32> to vector<1024xf32>
    %broadcast_in_dim3A_82 = vector.shape_cast %reduce_sum3A_81 : vector<1024xf32> to vector<1x1024xf32>
    %div3A_83 = arith.constant 1.024000e+03 : f32
    %div3A_84 = vector.broadcast %div3A_83 : f32 to vector<1x1024xf32>
    %div3A_85 = arith.divf %broadcast_in_dim3A_82, %div3A_84 : vector<1x1024xf32>
    %sub3A_86 = vector.broadcast %div3A_85 : vector<1x1024xf32> to vector<1024x1024xf32>
    %sub3A_87 = arith.subf %dot_general3A_79, %sub3A_86 : vector<1024x1024xf32>
    %integer_pow3A_88 = arith.mulf %sub3A_87, %sub3A_87 : vector<1024x1024xf32>
    %reduce_sum3A_89 = arith.constant dense<0.000000e+00> : vector<1024xf32>
    %reduce_sum3A_90 = vector.multi_reduction <add>, %integer_pow3A_88, %reduce_sum3A_89 [0] : vector<1024x1024xf32> to vector<1024xf32>
    %broadcast_in_dim3A_91 = vector.shape_cast %reduce_sum3A_90 : vector<1024xf32> to vector<1x1024xf32>
    %div3A_92 = arith.constant 1.024000e+03 : f32
    %div3A_93 = vector.broadcast %div3A_92 : f32 to vector<1x1024xf32>
    %div3A_94 = arith.divf %broadcast_in_dim3A_91, %div3A_93 : vector<1x1024xf32>
    %sub3A_95 = vector.broadcast %div3A_85 : vector<1x1024xf32> to vector<1024x1024xf32>
    %sub3A_96 = arith.subf %dot_general3A_79, %sub3A_95 : vector<1024x1024xf32>
    %add3A_97 = arith.constant 9.99999974E-6 : f32
    %add3A_98 = vector.broadcast %add3A_97 : f32 to vector<1x1024xf32>
    %add3A_99 = arith.addf %div3A_94, %add3A_98 : vector<1x1024xf32>
    %sqrt3A_100 = math.sqrt %add3A_99 : vector<1x1024xf32>
    %div3A_101 = vector.broadcast %sqrt3A_100 : vector<1x1024xf32> to vector<1024x1024xf32>
    %div3A_102 = arith.divf %sub3A_96, %div3A_101 : vector<1024x1024xf32>
    %get3A_103 = arith.constant 0 : index
    %get3A_104 = vector.load %arg8[%get3A_103] : memref<1024xf32, #tpu.memory_space<vmem>>, vector<1024xf32>
    %broadcast_in_dim3A_105 = vector.shape_cast %get3A_104 : vector<1024xf32> to vector<1x1024xf32>
    %mul3A_106 = vector.broadcast %broadcast_in_dim3A_105 : vector<1x1024xf32> to vector<1024x1024xf32>
    %mul3A_107 = arith.mulf %div3A_102, %mul3A_106 : vector<1024x1024xf32>
    %get3A_108 = arith.constant 0 : index
    %get3A_109 = vector.load %arg9[%get3A_108] : memref<1024xf32, #tpu.memory_space<vmem>>, vector<1024xf32>
    %broadcast_in_dim3A_110 = vector.shape_cast %get3A_109 : vector<1024xf32> to vector<1x1024xf32>
    %add3A_111 = vector.broadcast %broadcast_in_dim3A_110 : vector<1x1024xf32> to vector<1024x1024xf32>
    %add3A_112 = arith.addf %mul3A_107, %add3A_111 : vector<1024x1024xf32>
    %max3A_113 = arith.constant 0.000000e+00 : f32
    %max3A_114 = vector.broadcast %max3A_113 : f32 to vector<1024x1024xf32>
    %max3A_115 = arith.maximumf %add3A_112, %max3A_114 : vector<1024x1024xf32>
    %reshape3A_116 = vector.shape_cast %max3A_115 : vector<1024x1024xf32> to vector<4x256x1024xf32>
    %reduce_max3A = arith.constant dense<0xFF800000> : vector<4x1024xf32>
    %reduce_max3A_117 = vector.multi_reduction <maximumf>, %reshape3A_116, %reduce_max3A [1] : vector<4x256x1024xf32> to vector<4x1024xf32>
    %get3A_118 = arith.constant 0 : index
    %get3A_119 = arith.constant 0 : index
    %get3A_120 = vector.load %arg10[%get3A_118, %get3A_119] : memref<1024x512xf32, #tpu.memory_space<vmem>>, vector<1024x512xf32>
    %dot_general3A_121 = arith.constant dense<0.000000e+00> : vector<4x512xf32>
    %dot_general3A_122 = tpu.matmul %reduce_max3A_117, %get3A_120, %dot_general3A_121 {dimension_numbers = #tpu.dot_dimension_numbers<[1], [0], [0], [1], [0, 0, 1, 1], [], []>, transpose_lhs_hint = false} : vector<4x1024xf32>, vector<1024x512xf32>, vector<4x512xf32> -> vector<4x512xf32>
    %reduce_sum3A_123 = arith.constant dense<0.000000e+00> : vector<512xf32>
    %reduce_sum3A_124 = vector.multi_reduction <add>, %dot_general3A_122, %reduce_sum3A_123 [0] : vector<4x512xf32> to vector<512xf32>
    %broadcast_in_dim3A_125 = vector.shape_cast %reduce_sum3A_124 : vector<512xf32> to vector<1x512xf32>
    %div3A_126 = arith.constant 4.000000e+00 : f32
    %div3A_127 = vector.broadcast %div3A_126 : f32 to vector<1x512xf32>
    %div3A_128 = arith.divf %broadcast_in_dim3A_125, %div3A_127 : vector<1x512xf32>
    %sub3A_129 = vector.broadcast %div3A_128 : vector<1x512xf32> to vector<4x512xf32>
    %sub3A_130 = arith.subf %dot_general3A_122, %sub3A_129 : vector<4x512xf32>
    %integer_pow3A_131 = arith.mulf %sub3A_130, %sub3A_130 : vector<4x512xf32>
    %reduce_sum3A_132 = arith.constant dense<0.000000e+00> : vector<512xf32>
    %reduce_sum3A_133 = vector.multi_reduction <add>, %integer_pow3A_131, %reduce_sum3A_132 [0] : vector<4x512xf32> to vector<512xf32>
    %broadcast_in_dim3A_134 = vector.shape_cast %reduce_sum3A_133 : vector<512xf32> to vector<1x512xf32>
    %div3A_135 = arith.constant 4.000000e+00 : f32
    %div3A_136 = vector.broadcast %div3A_135 : f32 to vector<1x512xf32>
    %div3A_137 = arith.divf %broadcast_in_dim3A_134, %div3A_136 : vector<1x512xf32>
    %sub3A_138 = vector.broadcast %div3A_128 : vector<1x512xf32> to vector<4x512xf32>
    %sub3A_139 = arith.subf %dot_general3A_122, %sub3A_138 : vector<4x512xf32>
    %add3A_140 = arith.constant 9.99999974E-6 : f32
    %add3A_141 = vector.broadcast %add3A_140 : f32 to vector<1x512xf32>
    %add3A_142 = arith.addf %div3A_137, %add3A_141 : vector<1x512xf32>
    %sqrt3A_143 = math.sqrt %add3A_142 : vector<1x512xf32>
    %div3A_144 = vector.broadcast %sqrt3A_143 : vector<1x512xf32> to vector<4x512xf32>
    %div3A_145 = arith.divf %sub3A_139, %div3A_144 : vector<4x512xf32>
    %get3A_146 = arith.constant 0 : index
    %get3A_147 = vector.load %arg11[%get3A_146] : memref<512xf32, #tpu.memory_space<vmem>>, vector<512xf32>
    %broadcast_in_dim3A_148 = vector.shape_cast %get3A_147 : vector<512xf32> to vector<1x512xf32>
    %mul3A_149 = vector.broadcast %broadcast_in_dim3A_148 : vector<1x512xf32> to vector<4x512xf32>
    %mul3A_150 = arith.mulf %div3A_145, %mul3A_149 : vector<4x512xf32>
    %get3A_151 = arith.constant 0 : index
    %get3A_152 = vector.load %arg12[%get3A_151] : memref<512xf32, #tpu.memory_space<vmem>>, vector<512xf32>
    %broadcast_in_dim3A_153 = vector.shape_cast %get3A_152 : vector<512xf32> to vector<1x512xf32>
    %add3A_154 = vector.broadcast %broadcast_in_dim3A_153 : vector<1x512xf32> to vector<4x512xf32>
    %add3A_155 = arith.addf %mul3A_150, %add3A_154 : vector<4x512xf32>
    %max3A_156 = arith.constant 0.000000e+00 : f32
    %max3A_157 = vector.broadcast %max3A_156 : f32 to vector<4x512xf32>
    %max3A_158 = arith.maximumf %add3A_155, %max3A_157 : vector<4x512xf32>
    %get3A_159 = arith.constant 0 : index
    %get3A_160 = arith.constant 0 : index
    %get3A_161 = vector.load %arg13[%get3A_159, %get3A_160] : memref<512x256xf32, #tpu.memory_space<vmem>>, vector<512x256xf32>
    %dot_general3A_162 = arith.constant dense<0.000000e+00> : vector<4x256xf32>
    %dot_general3A_163 = tpu.matmul %max3A_158, %get3A_161, %dot_general3A_162 {dimension_numbers = #tpu.dot_dimension_numbers<[1], [0], [0], [1], [0, 0, 1, 1], [], []>, transpose_lhs_hint = false} : vector<4x512xf32>, vector<512x256xf32>, vector<4x256xf32> -> vector<4x256xf32>
    %reduce_sum3A_164 = arith.constant dense<0.000000e+00> : vector<256xf32>
    %reduce_sum3A_165 = vector.multi_reduction <add>, %dot_general3A_163, %reduce_sum3A_164 [0] : vector<4x256xf32> to vector<256xf32>
    %broadcast_in_dim3A_166 = vector.shape_cast %reduce_sum3A_165 : vector<256xf32> to vector<1x256xf32>
    %div3A_167 = arith.constant 4.000000e+00 : f32
    %div3A_168 = vector.broadcast %div3A_167 : f32 to vector<1x256xf32>
    %div3A_169 = arith.divf %broadcast_in_dim3A_166, %div3A_168 : vector<1x256xf32>
    %sub3A_170 = vector.broadcast %div3A_169 : vector<1x256xf32> to vector<4x256xf32>
    %sub3A_171 = arith.subf %dot_general3A_163, %sub3A_170 : vector<4x256xf32>
    %integer_pow3A_172 = arith.mulf %sub3A_171, %sub3A_171 : vector<4x256xf32>
    %reduce_sum3A_173 = arith.constant dense<0.000000e+00> : vector<256xf32>
    %reduce_sum3A_174 = vector.multi_reduction <add>, %integer_pow3A_172, %reduce_sum3A_173 [0] : vector<4x256xf32> to vector<256xf32>
    %broadcast_in_dim3A_175 = vector.shape_cast %reduce_sum3A_174 : vector<256xf32> to vector<1x256xf32>
    %div3A_176 = arith.constant 4.000000e+00 : f32
    %div3A_177 = vector.broadcast %div3A_176 : f32 to vector<1x256xf32>
    %div3A_178 = arith.divf %broadcast_in_dim3A_175, %div3A_177 : vector<1x256xf32>
    %sub3A_179 = vector.broadcast %div3A_169 : vector<1x256xf32> to vector<4x256xf32>
    %sub3A_180 = arith.subf %dot_general3A_163, %sub3A_179 : vector<4x256xf32>
    %add3A_181 = arith.constant 9.99999974E-6 : f32
    %add3A_182 = vector.broadcast %add3A_181 : f32 to vector<1x256xf32>
    %add3A_183 = arith.addf %div3A_178, %add3A_182 : vector<1x256xf32>
    %sqrt3A_184 = math.sqrt %add3A_183 : vector<1x256xf32>
    %div3A_185 = vector.broadcast %sqrt3A_184 : vector<1x256xf32> to vector<4x256xf32>
    %div3A_186 = arith.divf %sub3A_180, %div3A_185 : vector<4x256xf32>
    %get3A_187 = arith.constant 0 : index
    %get3A_188 = vector.load %arg14[%get3A_187] : memref<256xf32, #tpu.memory_space<vmem>>, vector<256xf32>
    %broadcast_in_dim3A_189 = vector.shape_cast %get3A_188 : vector<256xf32> to vector<1x256xf32>
    %mul3A_190 = vector.broadcast %broadcast_in_dim3A_189 : vector<1x256xf32> to vector<4x256xf32>
    %mul3A_191 = arith.mulf %div3A_186, %mul3A_190 : vector<4x256xf32>
    %get3A_192 = arith.constant 0 : index
    %get3A_193 = vector.load %arg15[%get3A_192] : memref<256xf32, #tpu.memory_space<vmem>>, vector<256xf32>
    %broadcast_in_dim3A_194 = vector.shape_cast %get3A_193 : vector<256xf32> to vector<1x256xf32>
    %add3A_195 = vector.broadcast %broadcast_in_dim3A_194 : vector<1x256xf32> to vector<4x256xf32>
    %add3A_196 = arith.addf %mul3A_191, %add3A_195 : vector<4x256xf32>
    %max3A_197 = arith.constant 0.000000e+00 : f32
    %max3A_198 = vector.broadcast %max3A_197 : f32 to vector<4x256xf32>
    %max3A_199 = arith.maximumf %add3A_196, %max3A_198 : vector<4x256xf32>
    %get3A_200 = arith.constant 0 : index
    %get3A_201 = arith.constant 0 : index
    %get3A_202 = vector.load %arg16[%get3A_200, %get3A_201] : memref<256x40xf32, #tpu.memory_space<vmem>>, vector<256x40xf32>
    %dot_general3A_203 = arith.constant dense<0.000000e+00> : vector<4x40xf32>
    %dot_general3A_204 = tpu.matmul %max3A_199, %get3A_202, %dot_general3A_203 {dimension_numbers = #tpu.dot_dimension_numbers<[1], [0], [0], [1], [0, 0, 1, 1], [], []>, transpose_lhs_hint = false} : vector<4x256xf32>, vector<256x40xf32>, vector<4x40xf32> -> vector<4x40xf32>
    %get3A_205 = arith.constant 0 : index
    %get3A_206 = vector.load %arg17[%get3A_205] : memref<40xf32, #tpu.memory_space<vmem>>, vector<40xf32>
    %broadcast_in_dim3A_207 = vector.shape_cast %get3A_206 : vector<40xf32> to vector<1x40xf32>
    %add3A_208 = vector.broadcast %broadcast_in_dim3A_207 : vector<1x40xf32> to vector<4x40xf32>
    %add3A_209 = arith.addf %dot_general3A_204, %add3A_208 : vector<4x40xf32>
    %swap3A = arith.constant 0 : index
    %swap3A_210 = arith.constant 0 : index
    %swap3A_211 = vector.load %arg18[%swap3A, %swap3A_210] : memref<4x40xf32, #tpu.memory_space<vmem>>, vector<4x40xf32>
    tpu.vector_store %arg18[%swap3A, %swap3A_210], %add3A_209 {strides = array<i32>} : memref<4x40xf32, #tpu.memory_space<vmem>>, vector<4x40xf32>,
    return
  }
}

</mosaic_0001>

<sc_bundles>
// kernel: gather_offload_async_start.1
scs
__scs_entry_jumppad:
0x0: {  	(pc) =	sbr.rel $0x88, $3  }
0x1: {  	(tag) =	ssettag $0x0;
	lr =	simm.s32 $0x1  }
0x2: {  	[smem:$0x3F7A] =	sst lr;
	_ =	strace $0xD0000000  }
0x3: {  	_ = 	snop  }
0x4: {  	_ = 	snop  }
0x5: {  	_ = 	snop  }
0x6: {  	_ = 	snop  }
0x7: {  	_ = 	snop  }
__scs_overlays_trampoline_lowered:
0x8: {  	[smem:$0x3F89] =	sst s0  }
0x9: {  	[smem:$0x3F8A] =	sst s1  }
0xa: {  	[smem:$0x3F8B] =	sst s2  }
0xb: {  	[smem:$0x3F8C] =	sst s3  }
0xc: {  	[smem:$0x3F8D] =	sst s4  }
0xd: {  	[smem:$0x3F8E] =	sst s5  }
0xe: {  	[smem:$0x3F8F] =	sst s6  }
0xf: {  	[smem:$0x3F90] =	sst s7  }
0x10: {  	[smem:$0x3F91] =	sst s8  }
0x11: {  	[smem:$0x3F92] =	sst s9;
	s0 =	simm.s32 @!p0 $0x0  }
0x12: {  	s1 =	sld [smem:$0x3F78];
	s0 =	simm.s32 @p0 $0x1  }
0x13: {  	[smem:$0x3F93] =	sst s0;
	s0 =	simm.s32 @!p1 $0x0  }
0x14: {  	s2 =	sld [smem:$0x3F77];
	s0 =	simm.s32 @p1 $0x1  }
0x15: {  	[smem:$0x3F94] =	sst s0;
	s0 =	simm.s32 @!p2 $0x0  }
0x16: {  	s3 =	sld [smem:$0x3FDB];
	s0 =	simm.s32 @p2 $0x1  }
0x17: {  	s4 =	simm.s32 $0x1BF5;
	[smem:$0x3F96] =	sst s0  }
0x18: {  	s0 =	sld [smem:$0x3F79];
	_ =	swait.ge [sflag:s4], $0x0  }
0x19: {  	s7 =	sld [smem:$0x3F7A]  }
0x1a: {  	s8 =	sadd.s32 $0xFFFFE003, lr  }
0x1b: {  	s9 =	sadd.s32 $0xFFFFFEF7, lr;
	s5 =	simm.s32 $0xFFFFFFFF;
	p2 =	slt.u32 s8, $0xFFFFF086  }
0x1c: {  	p1 =	slt.u32 s9, $0xF7A;
	s5 =	simm.s32 @!p2 $0x0  }
0x1d: {  	s5 =	simm.s32 @p1 $0x1;
	p0 =	seq.s32 s7, s2  }
0x1e: {  	s7 =	smul.u32 @!p0 $0xF7A, s2;
	p2 =	seq.s32 @!p0 s5, $0x0  }
0x1f: {  	s9 =	smul.u32 $0xF7A, s1;
	s8 =	simm.s32 @!p0 $0x1BF5;
	p2 =	por !p2, p0  }
0x20: {  	[sflag:s8] =	ssyncset.s32 @!p0 $0xFFFFF086;
	s6 =	sadd.s32 @!p0 s3, s7;
	s7 =	simm.s32 @!p0 $0x108  }
0x21: {  	s3 =	sadd.s32 s3, s9;
	s6 =	sadd.s32 @!p0 $0x88, s6;
	s7 =	simm.s32 @p2 $0x1082  }
0x22: {  	[simem:s7], [sflag:s8] =	dma.local @!p0 [hbm:s6], $0xF7A  }
0x23: {  	s9 =	sor.u32 $0xD0000000, s2;
	s6 =	simm.s32 $0x108;
	_ =	swait.ge @!p0 [sflag:s8], $0x0  }
0x24: {  	s3 =	sadd.s32 $0x88, s3;
	s6 =	simm.s32 @!p1 $0x1082;
	[sflag:s4] =	ssyncset.s32 $0xFFFFF086  }
0x25: {  	[simem:s6], [sflag:s4] =	dma.local [hbm:s3], $0xF7A  }
0x26: {  	[smem:$0x3F7A] =	sst s1;
	(tag) =	ssettag s2;
	_ =	strace s9  }
0x27: {  	s1 =	sld [smem:$0x3F8A]  }
0x28: {  	s2 =	sld [smem:$0x3F8B]  }
0x29: {  	s4 =	sld [smem:$0x3F8D]  }
0x2a: {  	p0 =	seq.s32 s5, $0x0;
	s5 =	sld [smem:$0x3F8E]  }
0x2b: {  	s6 =	sld [smem:$0x3F8F]  }
0x2c: {  	s7 =	sld [smem:$0x3F90]  }
0x2d: {  	s3 =	simm.s32 $0x108;
	s8 =	sld [smem:$0x3F91]  }
0x2e: {  	s3 =	simm.s32 @!p0 $0x1082;
	s9 =	sld [smem:$0x3F92]  }
0x2f: {  	lr =	sadd.s32 s0, s3;
	s0 =	sld [smem:$0x3F89]  }
0x30: {  	s3 =	sld [smem:$0x3F8C]  }
0x31: {  	[smem:$0x3F95] =	sst s10  }
0x32: {  	s10 =	sld [smem:$0x3F93];
	_ =	sdelay $0x3  }
0x33: {  	p0 =	seq.s32 s10, $0x1;
	s10 =	sld [smem:$0x3F95];
	_ =	sdelay $0x3  }
0x34: {  	[smem:$0x3F95] =	sst s10  }
0x35: {  	s10 =	sld [smem:$0x3F94];
	_ =	sdelay $0x3  }
0x36: {  	p1 =	seq.s32 s10, $0x1;
	s10 =	sld [smem:$0x3F95];
	_ =	sdelay $0x3  }
0x37: {  	[smem:$0x3F95] =	sst s10  }
0x38: {  	s10 =	sld [smem:$0x3F96]  }
0x39: {  	_ = 	snop;
	(pc) =	sbr.ind lr, $3  }
0x3a: {  	_ = 	snop  }
0x3b: {  	_ = 	snop  }
0x3c: {  	p2 =	seq.s32 s10, $0x1;
	s10 =	sld [smem:$0x3F95]  }
0x3d: {  	_ =	shalt  }
0x3e: {  	_ =	shalt  }
0x3f: {  	_ =	shalt  }
0x40: {  	_ =	shalt  }
0x41: {  	_ =	shalt  }
0x42: {  	_ =	shalt  }
0x43: {  	_ =	shalt  }
0x44: {  	_ =	shalt  }
0x45: {  	_ =	shalt  }
0x46: {  	_ =	shalt  }
0x47: {  	_ =	shalt  }
0x48: {  	_ =	shalt  }
0x49: {  	_ =	shalt  }
0x4a: {  	_ =	shalt  }
0x4b: {  	_ =	shalt  }
0x4c: {  	_ =	shalt  }
0x4d: {  	_ =	shalt  }
0x4e: {  	_ =	shalt  }
0x4f: {  	_ =	shalt  }
0x50: {  	_ =	shalt  }
0x51: {  	_ =	shalt  }
0x52: {  	_ =	shalt  }
0x53: {  	_ =	shalt  }
0x54: {  	_ =	shalt  }
0x55: {  	_ =	shalt  }
0x56: {  	_ =	shalt  }
0x57: {  	_ =	shalt  }
0x58: {  	_ =	shalt  }
0x59: {  	_ =	shalt  }
0x5a: {  	_ =	shalt  }
0x5b: {  	_ =	shalt  }
0x5c: {  	_ =	shalt  }
0x5d: {  	_ =	shalt  }
0x5e: {  	_ =	shalt  }
0x5f: {  	_ =	shalt  }
0x60: {  	_ =	shalt  }
0x61: {  	_ =	shalt  }
0x62: {  	_ =	shalt  }
0x63: {  	_ =	shalt  }
0x64: {  	_ =	shalt  }
0x65: {  	_ =	shalt  }
0x66: {  	_ =	shalt  }
0x67: {  	_ =	shalt  }
0x68: {  	_ =	shalt  }
0x69: {  	_ =	shalt  }
0x6a: {  	_ =	shalt  }
0x6b: {  	_ =	shalt  }
0x6c: {  	_ =	shalt  }
0x6d: {  	_ =	shalt  }
0x6e: {  	_ =	shalt  }
0x6f: {  	_ =	shalt  }
0x70: {  	_ =	shalt  }
0x71: {  	_ =	shalt  }
0x72: {  	_ =	shalt  }
0x73: {  	_ =	shalt  }
0x74: {  	_ =	shalt  }
0x75: {  	_ =	shalt  }
0x76: {  	_ =	shalt  }
0x77: {  	_ =	shalt  }
0x78: {  	_ =	shalt  }
0x79: {  	_ =	shalt  }
0x7a: {  	_ =	shalt  }
0x7b: {  	_ =	shalt  }
0x7c: {  	_ =	shalt  }
0x7d: {  	_ =	shalt  }
0x7e: {  	_ =	shalt  }
0x7f: {  	_ =	shalt  }
0x80: {  	_ =	shalt  }
0x81: {  	_ =	shalt  }
0x82: {  	_ =	shalt  }
0x83: {  	_ =	shalt  }
0x84: {  	_ =	shalt  }
0x85: {  	_ =	shalt  }
0x86: {  	_ =	shalt  }
0x87: {  	_ =	shalt  }
.Lfunc_end0:
.L_simem_size_0:
called_computation.2_lowered:
.L_overlay_start_0:
0x88: {  	s2 =	sld [smem:$0x3FD9]  }
0x89: {  	s3 =	sld [smem:$0x3FFE];
	_ =	sdelay $0x1  }
0x8a: {  	s1 =	srdreg.scid  }
0x8b: {  	s0 =	sand.u32 $0x1, s1  }
0x8c: {  	s16 =	sshll.u32 s0, $0xA;
	s2 =	sadd.s32 s3, s2  }
0x8d: {  	s2 =	sadd.s32 s2, s16  }
0x8e: {  	[smem:$0x3FA1] =	sst s2  }
0x8f: {  	_ = 	snop  }
0x90: {  	(tm) =	ssettm $0x1  }
0x91: {  	s17 =	sld [smem:$0x3FFB];
	_ =	sdelay $0x3  }
0x92: {  	_ =	strace s17  }
0x93: {  	s2 =	sld [smem:$0x3FFC];
	_ =	sdelay $0x3  }
0x94: {  	_ =	strace s2  }
0x95: {  	s2 =	sld [smem:$0x3FFD];
	_ =	sdelay $0x3  }
0x96: {  	_ =	strace s2  }
0x97: {  	_ =	strace $0x8FFFFFFF  }
0x98: {  	s18 =	sld [smem:$0x3FDB];
	_ =	sdelay $0x1  }
0x99: {  	s19 =	simm.s32 $_scs_section_size  }
0x9a: {  	s4 =	simm.s32 $_size__tile_overlayer_lowered;
	s5 =	simm.s32 $_tile_overlayer_lowered  }
0x9b: {  	s22 =	simm.s32 $0x1BFF;
	s21 =	sshll.u32 s5, $0x1;
	s2 =	sadd.s32 s19, s18  }
0x9c: {  	s6 =	simm.s32 $0x0;
	s20 =	sshll.u32 s4, $0x1;
	s4 =	sadd.s32 s21, s2  }
0x9d: {  	[timem:s6], [sflag:s22] =	dma.local [hbm:s4], s20  }
0x9e: {  	_ =	swait.ge [sflag:s22], s20  }
0x9f: {  	s3 =	ssub.s32 $0x0, s20;
	[sflag:s22] =	ssyncset.done $0x0  }
0xa0: {  	[sflag:s22] =	ssyncadd.s32 s3;
	_ =	sdelay $0x1  }
0xa1: {  	s23 =	simm.s32 $0x1B8B  }
0xa2: {  	_ =	swait.ge [sflag:s23], $0x1  }
0xa3: {  	[sflag:s23] =	ssyncset.done $0x0  }
0xa4: {  	s25 =	simm.s32 $0x1B8E;
	s24 =	sld [smem:$0x3FFE];
	[sflag:s23] =	ssyncadd.s32 $0xFFFFFFFF  }
0xa5: {  	s26 =	simm.s32 $execute0_lowered;
	[smem:$0x3FD2] =	sst s25  }
0xa6: {  	s4 =	sshll.u32 s26, $0x1;
	_ =	strace $0x80000049;
	[dreg:$0x1] =	wrdreg $0xFFFFFFFF  }
0xa7: {  	s28 =	simm.s32 $_size_execute0_lowered;
	s2 =	sadd.s32 s2, s4;
	[dreg:$0x0] =	wrdreg $0x0  }
0xa8: {  	s4 =	sshll.u32 s28, $0x1;
	[dreg:$0x2] =	wrdreg s2  }
0xa9: {  	[dreg:$0x3] =	wrdreg s4  }
0xaa: {  	[dreg:$0x4] =	wrdreg $0xC0  }
0xab: {  	_ =	task [dreg:s6], $0x5FFFF  }
0xac: {  	[dreg:$0x1] =	wrdreg $0xFFFFFFFF  }
0xad: {  	[dreg:$0x0] =	wrdreg $0x60  }
0xae: {  	[dreg:$0x2] =	wrdreg s24  }
0xaf: {  	[dreg:$0x3] =	wrdreg $0x9  }
0xb0: {  	_ =	task.clear_ibuf [dreg:s6], $0x4FFFF;
	_ =	strace $0x90000049  }
0xb1: {  	s29 =	simm.s32 $0x9;
	_ =	strace $0x8000004B  }
0xb2: {  	_ =	swait.ge [sflag:s29], $0x1  }
0xb3: {  	[sflag:s29] =	ssyncadd.s32 $0xFFFFFFFF  }
0xb4: {  	_ =	strace $0x9000004B  }
0xb5: {  	_ =	sfence  }
0xb6: {  	s30 =	sld [smem:$0x0];
	_ =	sdelay $0x2  }
0xb7: {  	s31 =	sshll.u32 s1, $0xD;
	s1 =	sshrl.u32 s1, $0x2  }
0xb8: {  	s3 =	sand.u32 $0x4000, s31;
	s1 =	sadd.s32 s1, s30  }
0xb9: {  	s0 =	sor.u32 s3, s0;
	s1 =	sshll.u32 s1, $0x11  }
0xba: {  	s0 =	sor.u32 s1, s0  }
0xbb: {  	s0 =	sadd.s32 $0x8F2B, s0  }
0xbc: {  	[sflag:s0] =	ssyncadd.remote.s32 $0x1  }
0xbd: {  	_ =	sfence.sel $0xFFFF  }
0xbe: {  	[dreg:$0x0] =	wrdreg $0xFFFFFFFF;
	(pc) =	sbr.abs _section_cstart, $3  }
0xbf: {  	[dreg:$0x1] =	wrdreg $0xFFFFFFFF  }
0xc0: {  	_ =	task.clear_ibuf [dreg:s6], $0x2FFFF;
	_ =	strace $0x9FFFFFFF  }
0xc1: {  	(tm) =	ssettm $0x7FFFFFFF  }
tec
execute0_lowered:
.L_overlay_start_1:
0x0: {  	(tag) =	ssettag $0x1  }
0x1: {  	s2 =	rddreg [dreg:$0x0]  }
0x2: {  	s0 =	rddreg [dreg:$0x1]  }
0x3: {  	s1 =	srdreg.scid;
	_ =	strace $0x8000004A;
	s4 =	simm.s32 $0x1  }
0x4: {  	s9 =	simm.s32 $0x3;
	s12 =	simm.s32 $0x0;
	s5 =	sshll.u32 s1, $0x4  }
.Ltmp0:
0x5: {  	s1 =	stileid.u32;
	s5 =	sand.u32 $0x10, s5;
	(pc) =	sbr.rel .LBB2_1-.Ltmp0, $4  }
0x6: {  	s10 =	simm.s32 $0x0;
	s3 =	sadd.s32 $0x80800, s2;
	s6 =	sor.u32 s1, s5  }
0x7: {  	[sflag:s4] =	ssyncpa.u1 $0x0;
	s5 =	simm.s32 $0x2;
	s6 =	sshll.u32 s6, $0x7  }
0x8: {  	s7 =	sadd.s32 $0xC0800, s2;
	[sflag:s5] =	ssyncpa.u1 $0x0;
	s8 =	sadd.s32 $0x80, s6  }
0x9: {  	vm0 =	vmmov $0xff;
	vm1 =	vcmask $0x3F20;
	[sflag:s9] =	ssyncpa.u1 $0x0;
	s9 =	simm.s32 $0x80;
	s11 =	smov.u32 s6  }
.LBB2_9:
0xa: {  	p0 =	seq.s32 s10, $0x2  }
.Ltmp1:
0xb: {  	_ = 	snop;
	(pc) =	sbr.rel @p0 .LBB2_11-.Ltmp1, $1  }
0xc: {  	_ =	sdelay $0x3  }
.LBB2_10:
0xd: {  	s12 =	sadd.s32 $0x80, s11  }
0xe: {  	s13 =	smov.u32 s6;
	p0 =	slt.s32 s12, s8  }
0xf: {  	s13 =	smov.u32 @p0 s12  }
0x10: {  	s10 =	sadd.s32 $0x1, s10;
	s12 =	smov.u32 s11;
	s11 =	smov.u32 s13  }
.LBB2_1:
0x11: {  	p0 =	sne.s32 s10, $0x0  }
.Ltmp2:
0x12: {  	_ = 	snop;
	(pc) =	sbr.rel @!p0 .LBB2_2-.Ltmp2, $1  }
0x13: {  	_ =	sdelay $0x3  }
0x14: {  	s13 =	sand.u32 $0x1, s10  }
0x15: {  	p0 =	seq.s32 s13, $0x0  }
.Ltmp3:
0x16: {  	_ = 	snop;
	(pc) =	sbr.rel @p0 .LBB2_9-.Ltmp3, $1  }
0x17: {  	_ =	sdelay $0x3  }
0x18: {  	_ =	swait.ge [sflag:s5], $0x80  }
0x19: {  	[sflag:s5] =	ssyncset.done $0x0  }
0x1a: {  	s13 =	simm.s32 $0x0;
	[sflag:s5] =	ssyncadd.s32 $0xFFFFFF80  }
0x1b: {  	v0 =	vld.msk [tilespmem:s13+$0x80 ss:$0x1], $0xffff;
	_ =	sdelay $0x4  }
0x1c: {  	v1 =	vshll.u32 v0, $0x5  }
0x1d: {  	vm2 =	veq.s32 v0, $0x80000000;
	v0 =	vshll.u32 v0, $0x13;
	v1 =	vand.u32 $0x7FF80, v1  }
0x1e: {  	v0 =	vand.u32 $0x180000, v0;
	v1 =	vsel vm2, $0xFFFFFF80, v1  }
0x1f: {  	v0 =	vsel vm2, $0xFFF80000, v0;
	v2 =	vand.u32 $0xFFFFFC00, v1  }
0x20: {  	v1 =	vand.u32 $0x380, v1;
	v0 =	vadd.s32 v0, v2  }
0x21: {  	v0 =	vor.u32 v1, v0  }
0x22: {  	v0 =	vshrl.u32 v0, $0x3;
	_ =	sdelay $0x3  }
0x23: {  	s13 =	simm.s32 $0x4100  }
0x24: {  	[tilespmem:s13], [sflag:$0x1] =	stream.indirect_vreg.gather [hbm:s3], $0x80, v0, vm0, $0x38;
	[tilespmem:$0x8100] =	vst v63  }
0x25: {  	s14 =	simm.s32 $0x4500;
	s31 =	simm.s32 $0x10  }
0x26: {  	[tilespmem:s14], [sflag:$0x1] =	stream.indirect_vreg.gather [hbm:s3], $0x80, v0, vm1, $0x38;
	[tilespmem:$0x8100] =	vst v63  }
0x27: {  	s14 =	simm.s32 $0x80;
	v0 =	vld.msk [tilespmem:s31+$0x80 ss:$0x1], $0xffff  }
.LBB2_5:
0x28: {  	p0 =	sne.s32 s14, $0x1C0;
	_ =	sdelay $0x4  }
0x29: {  	v1 =	vshll.u32 v0, $0x5  }
0x2a: {  	vm2 =	veq.s32 v0, $0x80000000;
	v0 =	vshll.u32 v0, $0x13;
	v1 =	vand.u32 $0x7FF80, v1  }
0x2b: {  	v0 =	vand.u32 $0x180000, v0;
	v1 =	vsel vm2, $0xFFFFFF80, v1  }
0x2c: {  	v0 =	vsel vm2, $0xFFF80000, v0;
	v2 =	vand.u32 $0xFFFFFC00, v1  }
0x2d: {  	v1 =	vand.u32 $0x380, v1;
	v0 =	vadd.s32 v0, v2  }
0x2e: {  	v0 =	vor.u32 v1, v0  }
0x2f: {  	v0 =	vshrl.u32 v0, $0x3;
	_ =	sdelay $0x3  }
.Ltmp4:
0x30: {  	s13 =	sadd.s32 $0x800, s13;
	(pc) =	sbr.rel @p0 .LBB2_5-.Ltmp4, $4  }
0x31: {  	[tilespmem:s13], [sflag:$0x1] =	stream.indirect_vreg.gather [hbm:s3], $0x80, v0, vm0, $0x38;
	[tilespmem:$0x8100] =	vst v63  }
0x32: {  	s15 =	sshra.s32 s14, $0x2;
	s16 =	sadd.s32 $0x400, s13  }
0x33: {  	[tilespmem:s16], [sflag:$0x1] =	stream.indirect_vreg.gather [hbm:s3], $0x80, v0, vm1, $0x38;
	[tilespmem:$0x8100] =	vst v63  }
0x34: {  	s14 =	sadd.s32 $0x40, s14;
	v0 =	vld.msk [tilespmem:s15+$0x80 ss:$0x1], $0xffff  }
0x35: {  	_ =	sdelay $0x3  }
0x36: {  	v1 =	vshll.u32 v0, $0x5  }
0x37: {  	vm2 =	veq.s32 v0, $0x80000000;
	v63 =	vshll.u32 v0, $0x13;
	v1 =	vand.u32 $0x7FF80, v1  }
0x38: {  	v0 =	vand.u32 $0x180000, v63;
	v1 =	vsel vm2, $0xFFFFFF80, v1  }
0x39: {  	v0 =	vsel vm2, $0xFFF80000, v0;
	v2 =	vand.u32 $0xFFFFFC00, v1  }
0x3a: {  	v1 =	vand.u32 $0x380, v1;
	v0 =	vadd.s32 v0, v2  }
0x3b: {  	v0 =	vor.u32 v1, v0  }
0x3c: {  	v0 =	vshrl.u32 v0, $0x3;
	_ =	sdelay $0x3  }
0x3d: {  	s13 =	sadd.s32 $0x800, s13  }
0x3e: {  	[tilespmem:s13], [sflag:$0x1] =	stream.indirect_vreg.gather [hbm:s3], $0x80, v0, vm0, $0x38;
	[tilespmem:$0x8100] =	vst v63  }
0x3f: {  	s13 =	sadd.s32 $0x400, s13  }
0x40: {  	[tilespmem:s13], [sflag:$0x1] =	stream.indirect_vreg.gather [hbm:s3], $0x80, v0, vm1, $0x38;
	[tilespmem:$0x8100] =	vst v63  }
0x41: {  	s12 =	sshll.u32 s12, $0x4;
	s14 =	simm.s32 $0x80;
	_ =	swait.ge [sflag:s4], $0x4000  }
0x42: {  	s15 =	simm.s32 $0x4500;
	s12 =	sadd.s32 s12, s2;
	[sflag:s4] =	ssyncset.done $0x0  }
0x43: {  	s16 =	sadd.s32 $0x0, s12;
	s13 =	simm.s32 $0x4100;
	[sflag:s4] =	ssyncadd.s32 $0xFFFFC000  }
.LBB2_7:
0x44: {  	[hbm:s16] =	stream.linear.scatter [tilespmem:s13], [sflag:$0x3], $0x400, $0x38;
	[tilespmem:$0x8100] =	vst v63  }
0x45: {  	s16 =	smov.u32 s14;
	s13 =	smov.u32 s15;
	p0 =	sne.s32 s14, $0x780  }
.Ltmp5:
0x46: {  	s14 =	sadd.s32 $0x80, s14;
	(pc) =	sbr.rel @p0 .LBB2_7-.Ltmp5, $2  }
0x47: {  	_ =	sdelay $0x2  }
0x48: {  	s15 =	sadd.s32 $0x400, s15;
	s16 =	sadd.s32 s16, s12  }
.Ltmp6:
0x49: {  	(pc) =	sbr.rel .LBB2_9-.Ltmp6, $2  }
0x4a: {  	_ =	sdelay $0x2  }
0x4b: {  	[hbm:s16] =	stream.linear.scatter [tilespmem:s13], [sflag:$0x3], $0x400, $0x38;
	[tilespmem:$0x8100] =	vst v63  }
.LBB2_2:
.Ltmp7:
0x4c: {  	(pc) =	sbr.rel .LBB2_10-.Ltmp7, $4  }
0x4d: {  	_ = 	snop  }
0x4e: {  	s12 =	sshrl.u32 s11, $0x3  }
0x4f: {  	s13 =	sand.u32 $0x7, s11;
	s12 =	sadd.s32 s7, s12  }
0x50: {  	[tilespmem:s9], [sflag:$0x2] =	stream.linear.gather [hbm4b:s12+s13], $0x80, $0x38;
	[tilespmem:$0x8100] =	vst v63  }
.LBB2_11:
0x51: {  	s2 =	simm.s32 $0x3  }
0x52: {  	_ =	swait.ge [sflag:s2], $0x4000  }
0x53: {  	[sflag:s2] =	ssyncset.done $0x0  }
0x54: {  	[sflag:s2] =	ssyncadd.s32 $0xFFFFC000  }
0x55: {  	_ =	sfence.sel $0x180000  }
0x56: {  	s3 =	simm.s32 $0x2;
	[bflag:$0x0] =	sbarrier.arrive $0xFFFF  }
0x57: {  	[sflag:s3] =	ssyncpa.u1 $0x1  }
0x58: {  	s31 =	simm.s32 $0x1;
	[sflag:s2] =	ssyncpa.u1 $0x1  }
0x59: {  	[sflag:s31] =	ssyncpa.u1 $0x1  }
0x5a: {  	p0 =	sne.s32 s1, $0x0;
	_ =	strace $0x9000004A  }
0x5b: {  	s0 =	sadd.s32 @!p0 $0x100000, s0;
	[bflag:$0x2] =	sbarrier.arrive $0xFFFF  }
0x5c: {  	[sflag:s0] =	ssyncadd.tile.s32 @!p0 $0x1;
	_ =	shalt  }
.Lfunc_end2:
_tile_overlayer_lowered:
.L_overlay_start_2:
0x5d: {  	(tag) =	ssettag $0x2  }
0x5e: {  	s0 =	rddreg [dreg:$0x0];
	s2 =	stileid.u32  }
0x5f: {  	s1 =	rddreg [dreg:$0x1];
	p0 =	sne.s32 s2, $0x0  }
0x60: {  	s3 =	rddreg [dreg:$0x2];
	[bflag:$0x3] =	sbarrier.arrive $0xFFFF;
	s2 =	simm.s32 @!p0 $0x1C01  }
0x61: {  	[timem:s3], [sflag:s2] =	dma.local @!p0 [hbm:s0], s1  }
0x62: {  	s0 =	simm.s32 @!p0 $0x1  }
0x63: {  	_ =	swait.ge @!p0 [sflag:s0], s1  }
0x64: {  	s1 =	ssub.s32 @!p0 $0x0, s1;
	[sflag:s0] =	ssyncset.done @!p0 $0x0  }
0x65: {  	[sflag:s0] =	ssyncadd.s32 @!p0 s1  }
0x66: {  	[bflag:$0x3] =	sbarrier.arrive $0xFFFF  }
0x67: {  	_ =	shalt  }

// kernel: gather_offload_async_start
scs
__scs_entry_jumppad:
0x0: {  	(pc) =	sbr.rel $0x88, $3  }
0x1: {  	(tag) =	ssettag $0x0;
	lr =	simm.s32 $0x1  }
0x2: {  	[smem:$0x3F7A] =	sst lr;
	_ =	strace $0xD0000000  }
0x3: {  	_ = 	snop  }
0x4: {  	_ = 	snop  }
0x5: {  	_ = 	snop  }
0x6: {  	_ = 	snop  }
0x7: {  	_ = 	snop  }
__scs_overlays_trampoline_lowered:
0x8: {  	[smem:$0x3F89] =	sst s0  }
0x9: {  	[smem:$0x3F8A] =	sst s1  }
0xa: {  	[smem:$0x3F8B] =	sst s2  }
0xb: {  	[smem:$0x3F8C] =	sst s3  }
0xc: {  	[smem:$0x3F8D] =	sst s4  }
0xd: {  	[smem:$0x3F8E] =	sst s5  }
0xe: {  	[smem:$0x3F8F] =	sst s6  }
0xf: {  	[smem:$0x3F90] =	sst s7  }
0x10: {  	[smem:$0x3F91] =	sst s8  }
0x11: {  	[smem:$0x3F92] =	sst s9;
	s0 =	simm.s32 @!p0 $0x0  }
0x12: {  	s1 =	sld [smem:$0x3F78];
	s0 =	simm.s32 @p0 $0x1  }
0x13: {  	[smem:$0x3F93] =	sst s0;
	s0 =	simm.s32 @!p1 $0x0  }
0x14: {  	s2 =	sld [smem:$0x3F77];
	s0 =	simm.s32 @p1 $0x1  }
0x15: {  	[smem:$0x3F94] =	sst s0;
	s0 =	simm.s32 @!p2 $0x0  }
0x16: {  	s3 =	sld [smem:$0x3FDB];
	s0 =	simm.s32 @p2 $0x1  }
0x17: {  	s4 =	simm.s32 $0x1BF5;
	[smem:$0x3F96] =	sst s0  }
0x18: {  	s0 =	sld [smem:$0x3F79];
	_ =	swait.ge [sflag:s4], $0x0  }
0x19: {  	s7 =	sld [smem:$0x3F7A]  }
0x1a: {  	s8 =	sadd.s32 $0xFFFFE003, lr  }
0x1b: {  	s9 =	sadd.s32 $0xFFFFFEF7, lr;
	s5 =	simm.s32 $0xFFFFFFFF;
	p2 =	slt.u32 s8, $0xFFFFF086  }
0x1c: {  	p1 =	slt.u32 s9, $0xF7A;
	s5 =	simm.s32 @!p2 $0x0  }
0x1d: {  	s5 =	simm.s32 @p1 $0x1;
	p0 =	seq.s32 s7, s2  }
0x1e: {  	s7 =	smul.u32 @!p0 $0xF7A, s2;
	p2 =	seq.s32 @!p0 s5, $0x0  }
0x1f: {  	s9 =	smul.u32 $0xF7A, s1;
	s8 =	simm.s32 @!p0 $0x1BF5;
	p2 =	por !p2, p0  }
0x20: {  	[sflag:s8] =	ssyncset.s32 @!p0 $0xFFFFF086;
	s6 =	sadd.s32 @!p0 s3, s7;
	s7 =	simm.s32 @!p0 $0x108  }
0x21: {  	s3 =	sadd.s32 s3, s9;
	s6 =	sadd.s32 @!p0 $0x88, s6;
	s7 =	simm.s32 @p2 $0x1082  }
0x22: {  	[simem:s7], [sflag:s8] =	dma.local @!p0 [hbm:s6], $0xF7A  }
0x23: {  	s9 =	sor.u32 $0xD0000000, s2;
	s6 =	simm.s32 $0x108;
	_ =	swait.ge @!p0 [sflag:s8], $0x0  }
0x24: {  	s3 =	sadd.s32 $0x88, s3;
	s6 =	simm.s32 @!p1 $0x1082;
	[sflag:s4] =	ssyncset.s32 $0xFFFFF086  }
0x25: {  	[simem:s6], [sflag:s4] =	dma.local [hbm:s3], $0xF7A  }
0x26: {  	[smem:$0x3F7A] =	sst s1;
	(tag) =	ssettag s2;
	_ =	strace s9  }
0x27: {  	s1 =	sld [smem:$0x3F8A]  }
0x28: {  	s2 =	sld [smem:$0x3F8B]  }
0x29: {  	s4 =	sld [smem:$0x3F8D]  }
0x2a: {  	p0 =	seq.s32 s5, $0x0;
	s5 =	sld [smem:$0x3F8E]  }
0x2b: {  	s6 =	sld [smem:$0x3F8F]  }
0x2c: {  	s7 =	sld [smem:$0x3F90]  }
0x2d: {  	s3 =	simm.s32 $0x108;
	s8 =	sld [smem:$0x3F91]  }
0x2e: {  	s3 =	simm.s32 @!p0 $0x1082;
	s9 =	sld [smem:$0x3F92]  }
0x2f: {  	lr =	sadd.s32 s0, s3;
	s0 =	sld [smem:$0x3F89]  }
0x30: {  	s3 =	sld [smem:$0x3F8C]  }
0x31: {  	[smem:$0x3F95] =	sst s10  }
0x32: {  	s10 =	sld [smem:$0x3F93];
	_ =	sdelay $0x3  }
0x33: {  	p0 =	seq.s32 s10, $0x1;
	s10 =	sld [smem:$0x3F95];
	_ =	sdelay $0x3  }
0x34: {  	[smem:$0x3F95] =	sst s10  }
0x35: {  	s10 =	sld [smem:$0x3F94];
	_ =	sdelay $0x3  }
0x36: {  	p1 =	seq.s32 s10, $0x1;
	s10 =	sld [smem:$0x3F95];
	_ =	sdelay $0x3  }
0x37: {  	[smem:$0x3F95] =	sst s10  }
0x38: {  	s10 =	sld [smem:$0x3F96]  }
0x39: {  	_ = 	snop;
	(pc) =	sbr.ind lr, $3  }
0x3a: {  	_ = 	snop  }
0x3b: {  	_ = 	snop  }
0x3c: {  	p2 =	seq.s32 s10, $0x1;
	s10 =	sld [smem:$0x3F95]  }
0x3d: {  	_ =	shalt  }
0x3e: {  	_ =	shalt  }
0x3f: {  	_ =	shalt  }
0x40: {  	_ =	shalt  }
0x41: {  	_ =	shalt  }
0x42: {  	_ =	shalt  }
0x43: {  	_ =	shalt  }
0x44: {  	_ =	shalt  }
0x45: {  	_ =	shalt  }
0x46: {  	_ =	shalt  }
0x47: {  	_ =	shalt  }
0x48: {  	_ =	shalt  }
0x49: {  	_ =	shalt  }
0x4a: {  	_ =	shalt  }
0x4b: {  	_ =	shalt  }
0x4c: {  	_ =	shalt  }
0x4d: {  	_ =	shalt  }
0x4e: {  	_ =	shalt  }
0x4f: {  	_ =	shalt  }
0x50: {  	_ =	shalt  }
0x51: {  	_ =	shalt  }
0x52: {  	_ =	shalt  }
0x53: {  	_ =	shalt  }
0x54: {  	_ =	shalt  }
0x55: {  	_ =	shalt  }
0x56: {  	_ =	shalt  }
0x57: {  	_ =	shalt  }
0x58: {  	_ =	shalt  }
0x59: {  	_ =	shalt  }
0x5a: {  	_ =	shalt  }
0x5b: {  	_ =	shalt  }
0x5c: {  	_ =	shalt  }
0x5d: {  	_ =	shalt  }
0x5e: {  	_ =	shalt  }
0x5f: {  	_ =	shalt  }
0x60: {  	_ =	shalt  }
0x61: {  	_ =	shalt  }
0x62: {  	_ =	shalt  }
0x63: {  	_ =	shalt  }
0x64: {  	_ =	shalt  }
0x65: {  	_ =	shalt  }
0x66: {  	_ =	shalt  }
0x67: {  	_ =	shalt  }
0x68: {  	_ =	shalt  }
0x69: {  	_ =	shalt  }
0x6a: {  	_ =	shalt  }
0x6b: {  	_ =	shalt  }
0x6c: {  	_ =	shalt  }
0x6d: {  	_ =	shalt  }
0x6e: {  	_ =	shalt  }
0x6f: {  	_ =	shalt  }
0x70: {  	_ =	shalt  }
0x71: {  	_ =	shalt  }
0x72: {  	_ =	shalt  }
0x73: {  	_ =	shalt  }
0x74: {  	_ =	shalt  }
0x75: {  	_ =	shalt  }
0x76: {  	_ =	shalt  }
0x77: {  	_ =	shalt  }
0x78: {  	_ =	shalt  }
0x79: {  	_ =	shalt  }
0x7a: {  	_ =	shalt  }
0x7b: {  	_ =	shalt  }
0x7c: {  	_ =	shalt  }
0x7d: {  	_ =	shalt  }
0x7e: {  	_ =	shalt  }
0x7f: {  	_ =	shalt  }
0x80: {  	_ =	shalt  }
0x81: {  	_ =	shalt  }
0x82: {  	_ =	shalt  }
0x83: {  	_ =	shalt  }
0x84: {  	_ =	shalt  }
0x85: {  	_ =	shalt  }
0x86: {  	_ =	shalt  }
0x87: {  	_ =	shalt  }
.Lfunc_end0:
.L_simem_size_0:
called_computation.1_lowered:
.L_overlay_start_0:
0x88: {  	s2 =	sld [smem:$0x3FD9]  }
0x89: {  	s3 =	sld [smem:$0x3FFE];
	_ =	sdelay $0x1  }
0x8a: {  	s1 =	srdreg.scid  }
0x8b: {  	s0 =	sand.u32 $0x1, s1  }
0x8c: {  	s16 =	sshll.u32 s0, $0xA;
	s2 =	sadd.s32 s3, s2  }
0x8d: {  	s2 =	sadd.s32 s2, s16  }
0x8e: {  	[smem:$0x3FA1] =	sst s2  }
0x8f: {  	_ = 	snop  }
0x90: {  	(tm) =	ssettm $0x1  }
0x91: {  	s17 =	sld [smem:$0x3FFB];
	_ =	sdelay $0x3  }
0x92: {  	_ =	strace s17  }
0x93: {  	s2 =	sld [smem:$0x3FFC];
	_ =	sdelay $0x3  }
0x94: {  	_ =	strace s2  }
0x95: {  	s2 =	sld [smem:$0x3FFD];
	_ =	sdelay $0x3  }
0x96: {  	_ =	strace s2  }
0x97: {  	_ =	strace $0x8FFFFFFF  }
0x98: {  	s18 =	sld [smem:$0x3FDB];
	_ =	sdelay $0x1  }
0x99: {  	s19 =	simm.s32 $_scs_section_size  }
0x9a: {  	s4 =	simm.s32 $_size__tile_overlayer_lowered;
	s5 =	simm.s32 $_tile_overlayer_lowered  }
0x9b: {  	s22 =	simm.s32 $0x1BFF;
	s21 =	sshll.u32 s5, $0x1;
	s2 =	sadd.s32 s19, s18  }
0x9c: {  	s6 =	simm.s32 $0x0;
	s20 =	sshll.u32 s4, $0x1;
	s4 =	sadd.s32 s21, s2  }
0x9d: {  	[timem:s6], [sflag:s22] =	dma.local [hbm:s4], s20  }
0x9e: {  	_ =	swait.ge [sflag:s22], s20  }
0x9f: {  	s3 =	ssub.s32 $0x0, s20;
	[sflag:s22] =	ssyncset.done $0x0  }
0xa0: {  	[sflag:s22] =	ssyncadd.s32 s3;
	_ =	sdelay $0x1  }
0xa1: {  	s23 =	simm.s32 $0x1B8B  }
0xa2: {  	_ =	swait.ge [sflag:s23], $0x1  }
0xa3: {  	[sflag:s23] =	ssyncset.done $0x0  }
0xa4: {  	s25 =	simm.s32 $0x1B8E;
	s24 =	sld [smem:$0x3FFE];
	[sflag:s23] =	ssyncadd.s32 $0xFFFFFFFF  }
0xa5: {  	s26 =	simm.s32 $execute0_lowered;
	[smem:$0x3FD2] =	sst s25  }
0xa6: {  	s4 =	sshll.u32 s26, $0x1;
	_ =	strace $0x80000046;
	[dreg:$0x1] =	wrdreg $0xFFFFFFFF  }
0xa7: {  	s28 =	simm.s32 $_size_execute0_lowered;
	s2 =	sadd.s32 s2, s4;
	[dreg:$0x0] =	wrdreg $0x0  }
0xa8: {  	s4 =	sshll.u32 s28, $0x1;
	[dreg:$0x2] =	wrdreg s2  }
0xa9: {  	[dreg:$0x3] =	wrdreg s4  }
0xaa: {  	[dreg:$0x4] =	wrdreg $0xC0  }
0xab: {  	_ =	task [dreg:s6], $0x5FFFF  }
0xac: {  	[dreg:$0x1] =	wrdreg $0xFFFFFFFF  }
0xad: {  	[dreg:$0x0] =	wrdreg $0x60  }
0xae: {  	[dreg:$0x2] =	wrdreg s24  }
0xaf: {  	[dreg:$0x3] =	wrdreg $0x9  }
0xb0: {  	_ =	task.clear_ibuf [dreg:s6], $0x4FFFF;
	_ =	strace $0x90000046  }
0xb1: {  	s29 =	simm.s32 $0x9;
	_ =	strace $0x80000048  }
0xb2: {  	_ =	swait.ge [sflag:s29], $0x1  }
0xb3: {  	[sflag:s29] =	ssyncadd.s32 $0xFFFFFFFF  }
0xb4: {  	_ =	strace $0x90000048  }
0xb5: {  	_ =	sfence  }
0xb6: {  	s30 =	sld [smem:$0x0];
	_ =	sdelay $0x2  }
0xb7: {  	s31 =	sshll.u32 s1, $0xD;
	s1 =	sshrl.u32 s1, $0x2  }
0xb8: {  	s3 =	sand.u32 $0x4000, s31;
	s1 =	sadd.s32 s1, s30  }
0xb9: {  	s0 =	sor.u32 s3, s0;
	s1 =	sshll.u32 s1, $0x11  }
0xba: {  	s0 =	sor.u32 s1, s0  }
0xbb: {  	s0 =	sadd.s32 $0x8F2B, s0  }
0xbc: {  	[sflag:s0] =	ssyncadd.remote.s32 $0x1  }
0xbd: {  	_ =	sfence.sel $0xFFFF  }
0xbe: {  	[dreg:$0x0] =	wrdreg $0xFFFFFFFF;
	(pc) =	sbr.abs _section_cstart, $3  }
0xbf: {  	[dreg:$0x1] =	wrdreg $0xFFFFFFFF  }
0xc0: {  	_ =	task.clear_ibuf [dreg:s6], $0x2FFFF;
	_ =	strace $0x9FFFFFFF  }
0xc1: {  	(tm) =	ssettm $0x7FFFFFFF  }
tec
execute0_lowered:
.L_overlay_start_1:
0x0: {  	(tag) =	ssettag $0x1  }
0x1: {  	s2 =	rddreg [dreg:$0x0]  }
0x2: {  	s0 =	rddreg [dreg:$0x1]  }
0x3: {  	s1 =	srdreg.scid;
	_ =	strace $0x80000047;
	s4 =	simm.s32 $0x1  }
0x4: {  	s9 =	simm.s32 $0x3;
	s11 =	simm.s32 $0x0;
	s5 =	sshll.u32 s1, $0x4  }
.Ltmp0:
0x5: {  	s1 =	stileid.u32;
	s5 =	sand.u32 $0x10, s5;
	(pc) =	sbr.rel .LBB2_1-.Ltmp0, $4  }
0x6: {  	p0 =	por $0x0, $0x0;
	s3 =	sadd.s32 $0x800, s2;
	s6 =	sor.u32 s1, s5  }
0x7: {  	[sflag:s4] =	ssyncpa.u1 $0x0;
	s5 =	simm.s32 $0x2;
	s6 =	sshll.u32 s6, $0x9  }
0x8: {  	s7 =	sadd.s32 $0x80800, s2;
	[sflag:s5] =	ssyncpa.u1 $0x0;
	s8 =	sadd.s32 $0x200, s6  }
0x9: {  	vm0 =	vmmov $0xff;
	vm1 =	vcmask $0x3F20;
	[sflag:s9] =	ssyncpa.u1 $0x0;
	s10 =	smov.u32 s6;
	s9 =	simm.s32 $0x0  }
.LBB2_7:
0xa: {  	p1 =	slt.u32 s9, $0x2;
	s11 =	sadd.s32 $0x100, s10  }
0xb: {  	s13 =	smov.u32 s6;
	s9 =	sadd.s32 $0x1, s9;
	p2 =	slt.s32 s11, s8  }
0xc: {  	s13 =	smov.u32 @p2 s11;
	p2 =	sne.s32 s9, $0x4  }
.Ltmp1:
0xd: {  	_ = 	snop;
	(pc) =	sbr.rel @!p2 .LBB2_8-.Ltmp1, $4  }
0xe: {  	s12 =	simm.s32 @!p1 $0x3  }
0xf: {  	_ =	swait.ge @!p1 [sflag:s12], $0x8000  }
0x10: {  	p0 =	por !p0, !p0;
	[sflag:s12] =	ssyncset.done @!p1 $0x0  }
0x11: {  	s11 =	smov.u32 s10;
	s10 =	smov.u32 s13;
	[sflag:s12] =	ssyncadd.s32 @!p1 $0xFFFF8000  }
.LBB2_1:
0x12: {  	p1 =	sgt.u32 s9, $0x1  }
0x13: {  	s12 =	sshll.u32 @!p1 s9, $0x8;
	s13 =	sshrl.u32 @!p1 s10, $0x3  }
0x14: {  	s14 =	sand.u32 @!p1 $0x7, s10;
	s12 =	sxor.u32 @!p1 $0x100, s12;
	s13 =	sadd.s32 @!p1 s2, s13  }
0x15: {  	[tilespmem:s12], [sflag:$0x2] =	stream.linear.gather @!p1 [hbm4b:s13+s14], $0x100, $0x38;
	[tilespmem:$0x10200] =	vst v63  }
0x16: {  	p1 =	seq.s32 s9, $0x0  }
0x17: {  	p2 =	seq.s32 @!p1 s9, $0x3  }
0x18: {  	p1 =	por p1, p2  }
.Ltmp2:
0x19: {  	_ = 	snop;
	(pc) =	sbr.rel @p1 .LBB2_7-.Ltmp2, $1  }
0x1a: {  	_ =	sdelay $0x3  }
0x1b: {  	s12 =	simm.s32 $0x1  }
0x1c: {  	_ =	swait.ge [sflag:s5], $0x100;
	s12 =	simm.s32 @!p0 $0x0  }
0x1d: {  	[sflag:s5] =	ssyncset.done $0x0;
	s14 =	sshll.u32 s12, $0x8  }
0x1e: {  	[sflag:s5] =	ssyncadd.s32 $0xFFFFFF00;
	s13 =	sadd.s32 $0x0, s14  }
0x1f: {  	v0 =	vld.msk [tilespmem:s13+$0x0 ss:$0x1], $0xffff;
	_ =	sdelay $0x4  }
0x20: {  	v1 =	vshll.u32 v0, $0x5  }
0x21: {  	vm2 =	veq.s32 v0, $0x80000000;
	v0 =	vshll.u32 v0, $0x14;
	v1 =	vand.u32 $0xFFF80, v1  }
0x22: {  	v0 =	vand.u32 $0x300000, v0;
	v1 =	vsel vm2, $0xFFFFFF80, v1  }
0x23: {  	v0 =	vsel vm2, $0xFFF00000, v0;
	v2 =	vand.u32 $0xFFFFFC00, v1  }
0x24: {  	v1 =	vand.u32 $0x380, v1;
	v0 =	vadd.s32 v0, v2  }
0x25: {  	v0 =	vor.u32 v1, v0  }
0x26: {  	v0 =	vshrl.u32 v0, $0x3;
	_ =	sdelay $0x2  }
0x27: {  	s12 =	sshll.u32 s12, $0xF  }
0x28: {  	s12 =	sor.u32 $0x200, s12  }
0x29: {  	[tilespmem:s12], [sflag:$0x1] =	stream.indirect_vreg.gather [hbm:s3], $0x80, v0, vm0, $0x38;
	[tilespmem:$0x10200] =	vst v63  }
0x2a: {  	s15 =	sadd.s32 $0x10, s14;
	s13 =	sadd.s32 $0x400, s12  }
0x2b: {  	[tilespmem:s13], [sflag:$0x1] =	stream.indirect_vreg.gather [hbm:s3], $0x80, v0, vm1, $0x38;
	[tilespmem:$0x10200] =	vst v63  }
0x2c: {  	s16 =	simm.s32 $0x80;
	v0 =	vld.msk [tilespmem:s15+$0x0 ss:$0x1], $0xffff;
	s15 =	smov.u32 s12  }
.LBB2_3:
0x2d: {  	p1 =	sne.s32 s16, $0x3C0;
	_ =	sdelay $0x4  }
0x2e: {  	v1 =	vshll.u32 v0, $0x5  }
0x2f: {  	vm2 =	veq.s32 v0, $0x80000000;
	v0 =	vshll.u32 v0, $0x14;
	v1 =	vand.u32 $0xFFF80, v1  }
0x30: {  	v0 =	vand.u32 $0x300000, v0;
	v1 =	vsel vm2, $0xFFFFFF80, v1  }
0x31: {  	v0 =	vsel vm2, $0xFFF00000, v0;
	v2 =	vand.u32 $0xFFFFFC00, v1  }
0x32: {  	v1 =	vand.u32 $0x380, v1;
	v0 =	vadd.s32 v0, v2  }
0x33: {  	v0 =	vor.u32 v1, v0  }
0x34: {  	v0 =	vshrl.u32 v0, $0x3;
	_ =	sdelay $0x3  }
.Ltmp3:
0x35: {  	s17 =	sshra.s32 s16, $0x2;
	s15 =	sadd.s32 $0x800, s15;
	(pc) =	sbr.rel @p1 .LBB2_3-.Ltmp3, $4  }
0x36: {  	[tilespmem:s15], [sflag:$0x1] =	stream.indirect_vreg.gather [hbm:s3], $0x80, v0, vm0, $0x38;
	[tilespmem:$0x10200] =	vst v63  }
0x37: {  	s17 =	sadd.s32 s17, s14;
	s18 =	sadd.s32 $0x400, s15  }
0x38: {  	[tilespmem:s18], [sflag:$0x1] =	stream.indirect_vreg.gather [hbm:s3], $0x80, v0, vm1, $0x38;
	[tilespmem:$0x10200] =	vst v63  }
0x39: {  	s16 =	sadd.s32 $0x40, s16;
	v0 =	vld.msk [tilespmem:s17+$0x0 ss:$0x1], $0xffff  }
0x3a: {  	_ =	sdelay $0x3  }
0x3b: {  	v1 =	vshll.u32 v0, $0x5  }
0x3c: {  	vm2 =	veq.s32 v0, $0x80000000;
	v63 =	vshll.u32 v0, $0x14;
	v1 =	vand.u32 $0xFFF80, v1  }
0x3d: {  	v0 =	vand.u32 $0x300000, v63;
	v1 =	vsel vm2, $0xFFFFFF80, v1  }
0x3e: {  	v0 =	vsel vm2, $0xFFF00000, v0;
	v2 =	vand.u32 $0xFFFFFC00, v1  }
0x3f: {  	v1 =	vand.u32 $0x380, v1;
	v0 =	vadd.s32 v0, v2  }
0x40: {  	v0 =	vor.u32 v1, v0  }
0x41: {  	v0 =	vshrl.u32 v0, $0x3;
	_ =	sdelay $0x3  }
0x42: {  	s14 =	sadd.s32 $0x800, s15  }
0x43: {  	[tilespmem:s14], [sflag:$0x1] =	stream.indirect_vreg.gather [hbm:s3], $0x80, v0, vm0, $0x38;
	[tilespmem:$0x10200] =	vst v63  }
0x44: {  	s14 =	sadd.s32 $0x400, s14  }
0x45: {  	[tilespmem:s14], [sflag:$0x1] =	stream.indirect_vreg.gather [hbm:s3], $0x80, v0, vm1, $0x38;
	[tilespmem:$0x10200] =	vst v63  }
0x46: {  	s11 =	sshll.u32 s11, $0x4;
	_ =	swait.ge [sflag:s4], $0x8000  }
0x47: {  	s11 =	sadd.s32 s11, s7;
	[sflag:s4] =	ssyncset.done $0x0  }
0x48: {  	s15 =	sadd.s32 $0x0, s11;
	s14 =	simm.s32 $0x80;
	[sflag:s4] =	ssyncadd.s32 $0xFFFF8000  }
.LBB2_5:
0x49: {  	[hbm:s15] =	stream.linear.scatter [tilespmem:s12], [sflag:$0x3], $0x400, $0x38;
	[tilespmem:$0x10200] =	vst v63  }
0x4a: {  	s15 =	smov.u32 s14;
	s12 =	smov.u32 s13;
	p1 =	sne.s32 s14, $0xF80  }
.Ltmp4:
0x4b: {  	s14 =	sadd.s32 $0x80, s14;
	(pc) =	sbr.rel @p1 .LBB2_5-.Ltmp4, $2  }
0x4c: {  	_ =	sdelay $0x2  }
0x4d: {  	s13 =	sadd.s32 $0x400, s13;
	s15 =	sadd.s32 s15, s11  }
.Ltmp5:
0x4e: {  	(pc) =	sbr.rel .LBB2_7-.Ltmp5, $2  }
0x4f: {  	_ =	sdelay $0x2  }
0x50: {  	[hbm:s15] =	stream.linear.scatter [tilespmem:s12], [sflag:$0x3], $0x400, $0x38;
	[tilespmem:$0x10200] =	vst v63  }
.LBB2_8:
0x51: {  	_ =	sfence.sel $0x180000  }
0x52: {  	s2 =	simm.s32 $0x2;
	[bflag:$0x0] =	sbarrier.arrive $0xFFFF  }
0x53: {  	s30 =	simm.s32 $0x3;
	[sflag:s2] =	ssyncpa.u1 $0x1  }
0x54: {  	s31 =	simm.s32 $0x1;
	[sflag:s30] =	ssyncpa.u1 $0x1  }
0x55: {  	[sflag:s31] =	ssyncpa.u1 $0x1  }
0x56: {  	p0 =	sne.s32 s1, $0x0;
	_ =	strace $0x90000047  }
0x57: {  	s0 =	sadd.s32 @!p0 $0x100000, s0;
	[bflag:$0x2] =	sbarrier.arrive $0xFFFF  }
0x58: {  	[sflag:s0] =	ssyncadd.tile.s32 @!p0 $0x1;
	_ =	shalt  }
.Lfunc_end2:
_tile_overlayer_lowered:
.L_overlay_start_2:
0x59: {  	(tag) =	ssettag $0x2  }
0x5a: {  	s0 =	rddreg [dreg:$0x0];
	s2 =	stileid.u32  }
0x5b: {  	s1 =	rddreg [dreg:$0x1];
	p0 =	sne.s32 s2, $0x0  }
0x5c: {  	s3 =	rddreg [dreg:$0x2];
	[bflag:$0x3] =	sbarrier.arrive $0xFFFF;
	s2 =	simm.s32 @!p0 $0x1C01  }
0x5d: {  	[timem:s3], [sflag:s2] =	dma.local @!p0 [hbm:s0], s1  }
0x5e: {  	s0 =	simm.s32 @!p0 $0x1  }
0x5f: {  	_ =	swait.ge @!p0 [sflag:s0], s1  }
0x60: {  	s1 =	ssub.s32 @!p0 $0x0, s1;
	[sflag:s0] =	ssyncset.done @!p0 $0x0  }
0x61: {  	[sflag:s0] =	ssyncadd.s32 @!p0 s1  }
0x62: {  	[bflag:$0x3] =	sbarrier.arrive $0xFFFF  }
0x63: {  	_ =	shalt  }

// kernel: sparse-core-data-format-call.cloned.1.call-start
scs
called_computation_lowered:
.L_overlay_start_0:
0x0: {  	s1 =	sld [smem:$0x3FD9]  }
0x1: {  	s2 =	sld [smem:$0x3FFE];
	_ =	sdelay $0x1  }
0x2: {  	s3 =	srdreg.scid  }
0x3: {  	s0 =	sand.u32 $0x1, s3  }
0x4: {  	s17 =	sshll.u32 s0, $0xA;
	s1 =	sadd.s32 s2, s1  }
0x5: {  	s1 =	sadd.s32 s1, s17  }
0x6: {  	[smem:$0x3FA1] =	sst s1  }
0x7: {  	_ = 	snop  }
0x8: {  	(tm) =	ssettm $0x1  }
0x9: {  	s18 =	sld [smem:$0x3FFB];
	_ =	sdelay $0x3  }
0xa: {  	_ =	strace s18  }
0xb: {  	s1 =	sld [smem:$0x3FFC];
	_ =	sdelay $0x3  }
0xc: {  	_ =	strace s1  }
0xd: {  	s1 =	sld [smem:$0x3FFD];
	_ =	sdelay $0x3  }
0xe: {  	_ =	strace s1  }
0xf: {  	_ =	strace $0x8FFFFFFF  }
0x10: {  	s19 =	sld [smem:$0x3FDB];
	_ =	sdelay $0x1  }
0x11: {  	s20 =	simm.s32 $_scs_section_size  }
0x12: {  	s4 =	simm.s32 $_size__tile_overlayer_lowered;
	s5 =	simm.s32 $_tile_overlayer_lowered  }
0x13: {  	s23 =	simm.s32 $0x1BFF;
	s22 =	sshll.u32 s5, $0x1;
	s1 =	sadd.s32 s20, s19  }
0x14: {  	s6 =	simm.s32 $0x0;
	s21 =	sshll.u32 s4, $0x1;
	s4 =	sadd.s32 s22, s1  }
0x15: {  	[timem:s6], [sflag:s23] =	dma.local [hbm:s4], s21  }
0x16: {  	_ =	swait.ge [sflag:s23], s21  }
0x17: {  	s2 =	ssub.s32 $0x0, s21;
	[sflag:s23] =	ssyncset.done $0x0  }
0x18: {  	[sflag:s23] =	ssyncadd.s32 s2;
	_ =	sdelay $0x1  }
0x19: {  	s24 =	simm.s32 $0x1B8B  }
0x1a: {  	_ =	swait.ge [sflag:s24], $0x1  }
0x1b: {  	[sflag:s24] =	ssyncset.done $0x0  }
0x1c: {  	s26 =	simm.s32 $0x1B8E;
	s25 =	sld [smem:$0x3FFE];
	[sflag:s24] =	ssyncadd.s32 $0xFFFFFFFF  }
0x1d: {  	s27 =	simm.s32 $execute0_lowered;
	[smem:$0x3FD2] =	sst s26  }
0x1e: {  	s4 =	sshll.u32 s27, $0x1;
	_ =	strace $0x8000004C;
	[dreg:$0x1] =	wrdreg $0xFFFFFFFF  }
0x1f: {  	s28 =	simm.s32 $_size_execute0_lowered;
	s1 =	sadd.s32 s1, s4;
	[dreg:$0x0] =	wrdreg $0x0  }
0x20: {  	s4 =	sshll.u32 s28, $0x1;
	[dreg:$0x2] =	wrdreg s1  }
0x21: {  	[dreg:$0x3] =	wrdreg s4  }
0x22: {  	[dreg:$0x4] =	wrdreg $0xC0  }
0x23: {  	_ =	task [dreg:s6], $0x5FFFF  }
0x24: {  	[dreg:$0x1] =	wrdreg $0xFFFFFFFF  }
0x25: {  	[dreg:$0x0] =	wrdreg $0x60  }
0x26: {  	[dreg:$0x2] =	wrdreg s25  }
0x27: {  	[dreg:$0x3] =	wrdreg $0x9  }
0x28: {  	_ =	task.clear_ibuf [dreg:s6], $0x4FFFF;
	_ =	strace $0x9000004C  }
0x29: {  	s29 =	simm.s32 $0x9;
	_ =	strace $0x8000004E  }
0x2a: {  	_ =	swait.ge [sflag:s29], $0x1  }
0x2b: {  	[sflag:s29] =	ssyncadd.s32 $0xFFFFFFFF  }
0x2c: {  	_ =	strace $0x9000004E  }
0x2d: {  	_ =	sfence  }
0x2e: {  	s30 =	sld [smem:$0x0];
	_ =	sdelay $0x2  }
0x2f: {  	s31 =	sshll.u32 s3, $0xD;
	s3 =	sshrl.u32 s3, $0x2  }
0x30: {  	s2 =	sand.u32 $0x4000, s31;
	s1 =	sadd.s32 s3, s30  }
0x31: {  	s0 =	sor.u32 s2, s0;
	s1 =	sshll.u32 s1, $0x11  }
0x32: {  	s0 =	sor.u32 s1, s0  }
0x33: {  	s0 =	sadd.s32 $0x8F2B, s0  }
0x34: {  	[sflag:s0] =	ssyncadd.remote.s32 $0x1  }
0x35: {  	_ =	sfence.sel $0xFFFF  }
0x36: {  	[dreg:$0x0] =	wrdreg $0xFFFFFFFF;
	(pc) =	sbr.abs _section_cstart, $3  }
0x37: {  	[dreg:$0x1] =	wrdreg $0xFFFFFFFF  }
0x38: {  	_ =	task.clear_ibuf [dreg:s6], $0x2FFFF;
	_ =	strace $0x9FFFFFFF  }
0x39: {  	(tm) =	ssettm $0x7FFFFFFF  }
tec
execute0_lowered:
.L_overlay_start_1:
0x0: {  	(tag) =	ssettag $0x1  }
0x1: {  	s0 =	stileid.u32;
	s1 =	srdreg.scid  }
0x2: {  	s4 =	rddreg [dreg:$0x0];
	s7 =	simm.s32 $0x1;
	s31 =	simm.s32 $0x2  }
0x3: {  	s16 =	simm.s32 $0x0;
	s2 =	sshll.u32 s0, $0x5;
	s1 =	sshll.u32 s1, $0x9  }
0x4: {  	s9 =	simm.s32 $0x2000;
	s14 =	simm.s32 $0x0;
	s1 =	sor.u32 s2, s1  }
0x5: {  	s15 =	simm.s32 $0x0;
	s10 =	simm.s32 $0x0;
	s2 =	sand.u32 $0x380, s1  }
0x6: {  	s13 =	simm.s32 $0x0;
	s3 =	sadd.s32 $0xC0800, s4;
	s5 =	ssub.s32 $0x400, s2  }
0x7: {  	s4 =	sadd.s32 $0x2C0800, s4;
	s1 =	rddreg [dreg:$0x1];
	s6 =	sand.u32 $0x380, s5  }
.Ltmp0:
0x8: {  	_ =	strace $0x8000004D;
	p0 =	sne.s32 s6, $0x0;
	(pc) =	sbr.rel .LBB1_1-.Ltmp0, $4  }
0x9: {  	s11 =	smov.u32 s2;
	s8 =	sshrl.u32 s5, $0xA;
	s7 =	simm.s32 @!p0 $0x0  }
0xa: {  	s5 =	sand.u32 $0x3, s0;
	s6 =	simm.s32 $0x1;
	s7 =	sadd.s32 s7, s8  }
0xb: {  	s12 =	smov.u32 s5;
	[sflag:s6] =	ssyncpa.u1 $0x0;
	s7 =	sshll.u32 s7, $0x5  }
0xc: {  	p0 =	por $0x0, $0x0;
	[sflag:s31] =	ssyncpa.u1 $0x0;
	s8 =	sor.u32 $0x1, s7  }
.LBB1_4:
0xd: {  	v5 =	vld [tilespmem:s20+$0xFFFFFFD0];
	[tilespmem:s19+$0x2040 ss:$0x81] =	vst.msk $0xffff, v1  }
0xe: {  	v58 =	vld [tilespmem:s20+$0xFFFFFFE0];
	[tilespmem:s19+$0x2850 ss:$0x81] =	vst.msk $0xffff, v2  }
0xf: {  	s21 =	sshra.s32 s21, $0x2;
	v59 =	vld [tilespmem:s20+$0xFFFFFFF0];
	[tilespmem:s19+$0x3060 ss:$0x81] =	vst.msk $0xffff, v3  }
0x10: {  	v60 =	vld [tilespmem:s20+$0x0];
	[tilespmem:s19+$0x0 ss:$0x81] =	vst.msk $0xffff, v0;
	s18 =	sadd.s32 s21, s18  }
0x11: {  	v61 =	vld [tilespmem:s20+$0x10];
	[tilespmem:s18+$0x3870 ss:$0x81] =	vst.msk $0xffff, v4  }
0x12: {  	v62 =	vld [tilespmem:s20+$0x20];
	s26 =	sshll.u32 s16, $0xA;
	s27 =	sshll.u32 s14, $0x3;
	[tilespmem:s18+$0x810 ss:$0x81] =	vst.msk $0xffff, v5  }
0x13: {  	v63 =	vld [tilespmem:s20+$0xFFFFFFC0];
	s29 =	sshll.u32 s16, $0x7;
	s30 =	sand.u32 $0x78, s14;
	s15 =	sshll.u32 s15, $0x13;
	[tilespmem:s18+$0x1020 ss:$0x81] =	vst.msk $0xffff, v58  }
0x14: {  	s19 =	sand.u32 $0x3FE000, s26;
	s28 =	sand.u32 $0x3FFC00, s27;
	s16 =	sand.u32 $0x380, s29;
	[tilespmem:s18+$0x1830 ss:$0x81] =	vst.msk $0xffff, v59  }
0x15: {  	s31 =	sand.u32 $0x7, s14;
	s19 =	sadd.s32 s28, s19;
	s16 =	sor.u32 s30, s16;
	[tilespmem:s18+$0x2040 ss:$0x81] =	vst.msk $0xffff, v60  }
0x16: {  	s15 =	sadd.s32 s4, s15;
	s19 =	sshrl.u32 s19, $0x3;
	s16 =	sshrl.u32 s16, $0x3;
	[tilespmem:s18+$0x2850 ss:$0x81] =	vst.msk $0xffff, v61  }
0x17: {  	s14 =	sshll.u32 s31, $0x12;
	s19 =	sand.u32 $0x7FF80, s19;
	s15 =	sadd.s32 s16, s15;
	[tilespmem:s18+$0x3060 ss:$0x81] =	vst.msk $0xffff, v62  }
0x18: {  	s14 =	sor.u32 $0x400, s14;
	[tilespmem:s18+$0x0 ss:$0x81] =	vst.msk $0xffff, v63;
	s15 =	sadd.s32 s19, s15  }
0x19: {  	[hbm4b:s15+s14] =	stream.strided.scatter [tilespmem:s17], [sflag:$0x2], $0x4000, s9, s14, $0x20;
	[tilespmem:$0x10100] =	vst v63  }
.LBB1_5:
0x1a: {  	s17 =	sadd.s32 $0x80, s10  }
0x1b: {  	s14 =	sadd.s32 $0x400, s11;
	s18 =	smov.u32 s11;
	p2 =	sgt.s32 s17, $0xFFF  }
0x1c: {  	s18 =	smov.u32 @p2 s14  }
0x1d: {  	s20 =	smov.u32 s12;
	s14 =	sadd.s32 $0x4, s12;
	p3 =	sgt.s32 s18, $0x3FF  }
0x1e: {  	s20 =	smov.u32 @p3 s14  }
0x1f: {  	s17 =	simm.s32 @p2 $0x0;
	p2 =	sgt.s32 s20, $0x3  }
0x20: {  	p1 =	slt.u32 s13, $0x2;
	s20 =	smov.u32 @p2 s5;
	p2 =	sne.s32 s13, s8  }
.Ltmp1:
0x21: {  	s19 =	simm.s32 @!p1 $0x2;
	(pc) =	sbr.rel @!p2 .LBB1_6-.Ltmp1, $4  }
0x22: {  	s16 =	smov.u32 s10;
	s15 =	smov.u32 s12;
	_ =	swait.ge @!p1 [sflag:s19], $0x4000  }
0x23: {  	p0 =	por !p0, !p0;
	[sflag:s19] =	ssyncset.done @!p1 $0x0;
	s10 =	smov.u32 s17  }
0x24: {  	s18 =	smov.u32 @p3 s2;
	s14 =	smov.u32 s11;
	[sflag:s19] =	ssyncadd.s32 @!p1 $0xFFFFC000  }
0x25: {  	s11 =	smov.u32 s18;
	s13 =	sadd.s32 $0x1, s13;
	s12 =	smov.u32 s20  }
.LBB1_1:
0x26: {  	p1 =	sge.u32 s13, s7;
	s31 =	sadd.s32 $0xFFFFFFFF, s13  }
0x27: {  	s17 =	sxor.u32 @!p1 $0xFFFFFFFF, s13;
	s18 =	sand.u32 @!p1 $0x78, s10;
	s19 =	sshll.u32 @!p1 s11, $0xC  }
0x28: {  	s20 =	sshll.u32 @!p1 s11, $0x7;
	s21 =	sshll.u32 @!p1 s10, $0x3;
	s17 =	sshll.u32 @!p1 s17, $0xE  }
0x29: {  	s19 =	sand.u32 @!p1 $0x3F8000, s19;
	s20 =	sand.u32 @!p1 $0x380, s20;
	s17 =	sand.u32 @!p1 $0x4000, s17  }
0x2a: {  	s19 =	sadd.s32 @!p1 s19, s21;
	s21 =	sand.u32 @!p1 $0xC00, s21;
	s18 =	sor.u32 @!p1 s20, s18  }
0x2b: {  	s20 =	sshll.u32 @!p1 s12, $0x13;
	s18 =	sor.u32 @!p1 s21, s18;
	s19 =	sshrl.u32 @!p1 s19, $0x3  }
0x2c: {  	s20 =	sadd.s32 @!p1 s3, s20;
	s21 =	sand.u32 @!p1 $0x7, s10;
	s19 =	sand.u32 @!p1 $0x7FE00, s19  }
0x2d: {  	s18 =	sshrl.u32 @!p1 s18, $0x3;
	s19 =	sadd.s32 @!p1 s19, s20;
	s20 =	sshll.u32 @!p1 s21, $0x12  }
0x2e: {  	s18 =	sadd.s32 @!p1 s18, s19;
	s19 =	sor.u32 @!p1 $0x400, s20;
	s20 =	simm.s32 @!p1 $0x8000  }
0x2f: {  	[tilespmem:s17], [sflag:$0x1] =	stream.strided.gather @!p1 [hbm4b:s18+s19], $0x4000, s20, s19, $0x38;
	[tilespmem:$0x10100] =	vst v63  }
0x30: {  	p1 =	sge.u32 s31, s7  }
.Ltmp2:
0x31: {  	_ = 	snop;
	(pc) =	sbr.rel @p1 .LBB1_5-.Ltmp2, $1  }
0x32: {  	_ =	sdelay $0x3  }
0x33: {  	s17 =	simm.s32 $0x1  }
0x34: {  	_ =	swait.ge [sflag:s6], $0x4000;
	s17 =	simm.s32 @!p0 $0x0  }
0x35: {  	[sflag:s6] =	ssyncset.done $0x0;
	s18 =	sshll.u32 s17, $0xE  }
0x36: {  	[sflag:s6] =	ssyncadd.s32 $0xFFFFC000;
	s20 =	sor.u32 $0x40, s18  }
0x37: {  	s17 =	smul.u32 $0x10200, s17;
	v0 =	vld [tilespmem:s20+$0x30]  }
0x38: {  	v3 =	vld [tilespmem:s20+$0xFFFFFFD0]  }
0x39: {  	s17 =	sshrl.u32 s17, $0x2;
	v4 =	vld [tilespmem:s20+$0xFFFFFFE0]  }
0x3a: {  	v5 =	vld [tilespmem:s20+$0xFFFFFFF0];
	s18 =	sor.u32 $0x8000, s17  }
0x3b: {  	s31 =	sand.u32 $0x1, s13;
	v1 =	vld [tilespmem:s20+$0x0];
	s19 =	sadd.s32 $0x0, s18  }
0x3c: {  	v2 =	vld [tilespmem:s20+$0x10];
	s17 =	smul.u32 $0x10200, s31;
	[tilespmem:s19+$0x3870 ss:$0x81] =	vst.msk $0xffff, v0  }
0x3d: {  	[tilespmem:s19+$0x810 ss:$0x81] =	vst.msk $0xffff, v3;
	v3 =	vld [tilespmem:s20+$0x20]  }
0x3e: {  	s17 =	sshrl.u32 s17, $0x2;
	v0 =	vld [tilespmem:s20+$0xFFFFFFC0];
	[tilespmem:s19+$0x1020 ss:$0x81] =	vst.msk $0xffff, v4;
	s20 =	sadd.s32 $0x80, s20  }
0x3f: {  	s21 =	simm.s32 $0x4;
	s22 =	simm.s32 $0x8;
	s17 =	sor.u32 $0x8000, s17;
	[tilespmem:s19+$0x1830 ss:$0x81] =	vst.msk $0xffff, v5;
	v4 =	vld [tilespmem:s20+$0x30]  }
.LBB1_3:
0x40: {  	p1 =	sne.s32 s22, $0x1FC;
	v5 =	vld [tilespmem:s20+$0xFFFFFFD0];
	[tilespmem:s19+$0x2040 ss:$0x81] =	vst.msk $0xffff, v1  }
0x41: {  	v6 =	vld [tilespmem:s20+$0xFFFFFFE0];
	[tilespmem:s19+$0x2850 ss:$0x81] =	vst.msk $0xffff, v2  }
0x42: {  	s23 =	sshra.s32 s21, $0x2;
	s21 =	smov.u32 s22;
	v7 =	vld [tilespmem:s20+$0xFFFFFFF0];
	[tilespmem:s19+$0x3060 ss:$0x81] =	vst.msk $0xffff, v3  }
.Ltmp3:
0x43: {  	v1 =	vld [tilespmem:s20+$0x0];
	[tilespmem:s19+$0x0 ss:$0x81] =	vst.msk $0xffff, v0;
	s19 =	sadd.s32 s23, s18;
	(pc) =	sbr.rel @p1 .LBB1_3-.Ltmp3, $4  }
0x44: {  	v2 =	vld [tilespmem:s20+$0x10];
	[tilespmem:s19+$0x3870 ss:$0x81] =	vst.msk $0xffff, v4  }
0x45: {  	[tilespmem:s19+$0x810 ss:$0x81] =	vst.msk $0xffff, v5;
	v3 =	vld [tilespmem:s20+$0x20]  }
0x46: {  	v0 =	vld [tilespmem:s20+$0xFFFFFFC0];
	[tilespmem:s19+$0x1020 ss:$0x81] =	vst.msk $0xffff, v6;
	s20 =	sadd.s32 $0x80, s20  }
0x47: {  	s22 =	sadd.s32 $0x4, s22;
	v4 =	vld [tilespmem:s20+$0x30];
	[tilespmem:s19+$0x1830 ss:$0x81] =	vst.msk $0xffff, v7  }
.Ltmp4:
0x48: {  	_ = 	snop;
	(pc) =	sbr.rel .LBB1_4-.Ltmp4, $1  }
0x49: {  	_ =	sdelay $0x3  }
.LBB1_6:
0x4a: {  	_ =	sfence.sel $0x180000  }
0x4b: {  	s2 =	simm.s32 $0x1;
	[bflag:$0x0] =	sbarrier.arrive $0xFFFF  }
0x4c: {  	s31 =	simm.s32 $0x2;
	[sflag:s2] =	ssyncpa.u1 $0x1  }
0x4d: {  	[sflag:s31] =	ssyncpa.u1 $0x1  }
0x4e: {  	p0 =	sne.s32 s0, $0x0;
	_ =	strace $0x9000004D  }
0x4f: {  	s0 =	sadd.s32 @!p0 $0x100000, s1;
	[bflag:$0x2] =	sbarrier.arrive $0xFFFF  }
0x50: {  	[sflag:s0] =	ssyncadd.tile.s32 @!p0 $0x1;
	_ =	shalt  }
.Lfunc_end1:
_tile_overlayer_lowered:
.L_overlay_start_2:
0x51: {  	(tag) =	ssettag $0x2  }
0x52: {  	s0 =	rddreg [dreg:$0x0];
	s2 =	stileid.u32  }
0x53: {  	s1 =	rddreg [dreg:$0x1];
	p0 =	sne.s32 s2, $0x0  }
0x54: {  	s3 =	rddreg [dreg:$0x2];
	[bflag:$0x3] =	sbarrier.arrive $0xFFFF;
	s2 =	simm.s32 @!p0 $0x1C01  }
0x55: {  	[timem:s3], [sflag:s2] =	dma.local @!p0 [hbm:s0], s1  }
0x56: {  	s0 =	simm.s32 @!p0 $0x1  }
0x57: {  	_ =	swait.ge @!p0 [sflag:s0], s1  }
0x58: {  	s1 =	ssub.s32 @!p0 $0x0, s1;
	[sflag:s0] =	ssyncset.done @!p0 $0x0  }
0x59: {  	[sflag:s0] =	ssyncadd.s32 @!p0 s1  }
0x5a: {  	[bflag:$0x3] =	sbarrier.arrive $0xFFFF  }
0x5b: {  	_ =	shalt  }

</sc_bundles>
